<compile_context>
chip_gen: v7x
topology: tpu7x:2x2x1
jax: 0.10.2.dev20260603
libtpu: 0.0.44.dev20260713+nightly
codegen_flags: <defaults>
</compile_context>

<pallas_src>
import functools

import jax
import jax.numpy as jnp
from jax import lax
from jax.experimental import pallas as pl
from jax.experimental.pallas import tpu as pltpu
from jax.experimental.pallas import tpu_sc as plsc

N_NODES = 10000
N_EDGES = 320000
D_ATOM = 128
D_EDGE = 16
D_OUT = 128

NC = 2
NS = 16
NW = NC * NS
E_PER_W = N_EDGES // NW
B = 80
STEPS = E_PER_W // B



def _node_mm_body(h_ref, wa_ref, wc_ref, pa_ref, pc_ref):
    hb = h_ref[...]
    pa_ref[...] = jnp.dot(hb, wa_ref[...], preferred_element_type=jnp.float32)
    pc_ref[...] = jnp.dot(hb, wc_ref[...], preferred_element_type=jnp.float32)


def _node_mm(h, wa, wc):
    blk = 2000
    return pl.pallas_call(
        _node_mm_body,
        grid=(N_NODES // blk,),
        in_specs=[
            pl.BlockSpec((blk, D_ATOM), lambda i: (i, 0)),
            pl.BlockSpec((D_ATOM, D_OUT), lambda i: (0, 0)),
            pl.BlockSpec((D_ATOM, D_OUT), lambda i: (0, 0)),
        ],
        out_specs=[
            pl.BlockSpec((blk, D_OUT), lambda i: (i, 0)),
            pl.BlockSpec((blk, D_OUT), lambda i: (i, 0)),
        ],
        out_shape=[
            jax.ShapeDtypeStruct((N_NODES, D_OUT), jnp.float32),
            jax.ShapeDtypeStruct((N_NODES, D_OUT), jnp.float32),
        ],
    )(h, wa, wc)



def _rbf_mm_body(m_ref, wr_ref, r_ref):
    r_ref[...] = jnp.dot(m_ref[...], wr_ref[...], preferred_element_type=jnp.float32)


def _rbf_mm(m_rbf, wr):
    blk = 4000
    return pl.pallas_call(
        _rbf_mm_body,
        grid=(N_EDGES // blk,),
        in_specs=[
            pl.BlockSpec((blk, D_EDGE), lambda i: (i, 0)),
            pl.BlockSpec((D_EDGE, D_OUT), lambda i: (0, 0)),
        ],
        out_specs=pl.BlockSpec((blk, D_OUT), lambda i: (i, 0)),
        out_shape=jax.ShapeDtypeStruct((N_EDGES, D_OUT), jnp.float32),
    )(m_rbf, wr)



_MESH = plsc.VectorSubcoreMesh(core_axis_name="c", subcore_axis_name="s")


@functools.partial(
    pl.kernel,
    mesh=_MESH,
    out_type=jax.ShapeDtypeStruct((N_EDGES, D_OUT), jnp.float32),
    scratch_types=[
        pltpu.VMEM((B,), jnp.int32),
        pltpu.VMEM((B,), jnp.int32),
        pltpu.VMEM((B, D_OUT), jnp.float32),
        pltpu.VMEM((B, D_OUT), jnp.float32),
        pltpu.VMEM((B, D_OUT), jnp.float32),
        pltpu.VMEM((B, D_OUT), jnp.float32),
        pltpu.SemaphoreType.DMA,
        pltpu.SemaphoreType.DMA,
        pltpu.SemaphoreType.DMA,
    ],
)
def _edge_kernel(pa_hbm, pc_hbm, r_hbm, ia_hbm, ic_hbm, out_hbm,
                 idxa_v, idxc_v, accr_v, bufa_v, bufc_v, outb_v,
                 sem_r, sem_a, sem_c):
    wid = lax.axis_index("s") * NC + lax.axis_index("c")
    base0 = wid * E_PER_W

    def step(i, carry):
        base = base0 + i * B
        pltpu.sync_copy(ia_hbm.at[pl.ds(base, B)], idxa_v)
        pltpu.sync_copy(ic_hbm.at[pl.ds(base, B)], idxc_v)
        cp_a = pltpu.async_copy(pa_hbm.at[idxa_v], bufa_v, sem_a)
        cp_c = pltpu.async_copy(pc_hbm.at[idxc_v], bufc_v, sem_c)
        cp_r = pltpu.async_copy(r_hbm.at[pl.ds(base, B)], accr_v, sem_r)
        cp_r.wait()
        cp_a.wait()
        cp_c.wait()

        def row(j, c2):
            for k in range(D_OUT // 16):
                sl = pl.ds(k * 16, 16)
                x = accr_v[j, sl] + bufa_v[j, sl] + bufc_v[j, sl]
                outb_v[j, sl] = x / (1.0 + jnp.exp(-x))
            return c2

        lax.fori_loop(0, B, row, 0)
        pltpu.sync_copy(outb_v, out_hbm.at[pl.ds(base, B)])
        return carry

    lax.fori_loop(0, STEPS, step, 0)



def kernel(h, m_rbf, idnb_a, idnb_c, W):
    wa = W[:D_ATOM]
    wc = W[D_ATOM:2 * D_ATOM]
    wr = W[2 * D_ATOM:]
    pa, pc = _node_mm(h, wa, wc)
    r = _rbf_mm(m_rbf, wr)
    return _edge_kernel(pa, pc, r, idnb_a, idnb_c)

# --- scband reference (transcript-rebuilt; emitter-appended) ---
"""Pipeline reference for scband-edge-embedding-87900800680239 (READ-ONLY COPY).

The authoritative reference and input builder live on the scoring server;
editing this copy changes nothing except your own understanding.
"""

import jax, jax.numpy as jnp
import numpy as np

N_NODES = 10000
N_EDGES = 320000
D_ATOM = 128
D_EDGE = 16
D_OUT = 128
D_IN = 2 * D_ATOM + D_EDGE  # 272


def setup_inputs(seed: int = 0) -> dict:
    key = jax.random.key(seed)
    k1, k2, k3, k4, k5 = jax.random.split(key, 5)
    h = jax.random.normal(k1, (N_NODES, D_ATOM), dtype=jnp.float32)
    m_rbf = jax.random.normal(k2, (N_EDGES, D_EDGE), dtype=jnp.float32)
    idnb_a = jax.random.randint(k3, (N_EDGES,), 0, N_NODES, dtype=jnp.int32)
    idnb_c = jax.random.randint(k4, (N_EDGES,), 0, N_NODES, dtype=jnp.int32)
    # Dense layer weight (bias=False), Glorot-ish scaling
    W = jax.random.normal(k5, (D_IN, D_OUT), dtype=jnp.float32) / np.sqrt(D_IN)
    return {"h": h, "m_rbf": m_rbf, "idnb_a": idnb_a, "idnb_c": idnb_c, "W": W}


def reference(h, m_rbf, idnb_a, idnb_c, W):
    # gather atom embeddings at both edge endpoints
    h_a = jnp.take(h, idnb_a, axis=0)  # (nEdges, D_ATOM)
    h_c = jnp.take(h, idnb_c, axis=0)  # (nEdges, D_ATOM)
    m_ca = jnp.concatenate([h_a, h_c, m_rbf], axis=-1)  # (nEdges, 2*D_ATOM+D_EDGE)
    # Dense(bias=False) with silu activation
    m_ca = m_ca @ W
    m_ca = jax.nn.silu(m_ca)
    return m_ca

if __name__ == "__main__":
    import jax
    _d = setup_inputs()
    print(jax.jit(kernel)(*tuple(_d.values())))

</pallas_src>

<mosaic_0001>
#map = affine_map<(d0, d1) -> (0, 0)>
#map1 = affine_map<(d0, d1) -> (0)>
module attributes {stable_mosaic.version = 14 : i64} {
  func.func @_edge_kernel(%arg0: i32, %arg1: i32, %arg2: memref<10000x128xf32, #tpu.memory_space<hbm>>, %arg3: memref<10000x128xf32, #tpu.memory_space<hbm>>, %arg4: memref<320000x128xf32, #tpu.memory_space<hbm>>, %arg5: memref<320000xi32, #tpu.memory_space<hbm>>, %arg6: memref<320000xi32, #tpu.memory_space<hbm>>, %arg7: memref<320000x128xf32, #tpu.memory_space<hbm>>, %arg8: memref<80xi32, #tpu.memory_space<vmem>>, %arg9: memref<80xi32, #tpu.memory_space<vmem>>, %arg10: memref<80x128xf32, #tpu.memory_space<vmem>>, %arg11: memref<80x128xf32, #tpu.memory_space<vmem>>, %arg12: memref<80x128xf32, #tpu.memory_space<vmem>>, %arg13: memref<80x128xf32, #tpu.memory_space<vmem>>, %arg14: memref<!tpu.dma_semaphore, #tpu.memory_space<semaphore_mem>>, %arg15: memref<!tpu.dma_semaphore, #tpu.memory_space<semaphore_mem>>, %arg16: memref<!tpu.dma_semaphore, #tpu.memory_space<semaphore_mem>>) attributes {dimension_semantics = [#tpu.dimension_semantics<core_parallel>, #tpu.dimension_semantics<subcore_parallel>], iteration_bounds = array<i64: 2, 16>, scalar_prefetch = 0 : i64, scratch_operands = 9 : i64, tpu.core_type = #tpu.core_type<sc_vector_subcore>, window_params = [{transform_indices = #map}, {transform_indices = #map}, {transform_indices = #map}, {transform_indices = #map1}, {transform_indices = #map1}, {transform_indices = #map}]} {
    %mul3A = arith.constant 2 : i32
    %mul3A_0 = arith.muli %arg1, %mul3A : i32
    %add3A = arith.addi %mul3A_0, %arg0 : i32
    %mul3A_1 = arith.constant 10000 : i32
    %mul3A_2 = arith.muli %add3A, %mul3A_1 : i32
    %scan3A = arith.constant 0 : i32
    %scan3A_3 = arith.constant 0 : i32
    %scan3A_4 = arith.constant 125 : i32
    %scan3A_5 = arith.addi %scan3A_3, %scan3A_4 : i32
    %scan3A_6 = arith.constant 1 : i32
    scf.for %scan3A_8 = %scan3A_3 to %scan3A_5 step %scan3A_6  : i32 {
      %mul3A_9 = arith.constant 80 : i32
      %mul3A_10 = arith.muli %scan3A_8, %mul3A_9 : i32
      %add3A_11 = arith.addi %mul3A_2, %mul3A_10 : i32
      "tpu.region"() ({
        %run_scoped3A = tpu.sem_alloc : memref<!tpu.dma_semaphore, #tpu.memory_space<semaphore_mem>>
        %dma_start3A_36 = tpu.memref_slice %arg5[%add3A_11] : memref<320000xi32, #tpu.memory_space<hbm>> -> memref<80xi32, #tpu.memory_space<hbm>>
        %dma_start3A_37 = tpu.memref_slice %arg5[%add3A_11] : memref<320000xi32, #tpu.memory_space<hbm>> -> memref<80xi32, #tpu.memory_space<hbm>>
        tpu.enqueue_dma source(%dma_start3A_37 : memref<80xi32, #tpu.memory_space<hbm>>) target(%arg8 : memref<80xi32, #tpu.memory_space<vmem>>) target_semaphore(%run_scoped3A : memref<!tpu.dma_semaphore, #tpu.memory_space<semaphore_mem>>)
        %dma_wait3A_38 = tpu.memref_slice %arg5[%add3A_11] : memref<320000xi32, #tpu.memory_space<hbm>> -> memref<80xi32, #tpu.memory_space<hbm>>
        %dma_wait3A_39 = tpu.memref_slice %arg5[%add3A_11] : memref<320000xi32, #tpu.memory_space<hbm>> -> memref<80xi32, #tpu.memory_space<hbm>>
        tpu.wait_dma2 semaphore(%run_scoped3A : memref<!tpu.dma_semaphore, #tpu.memory_space<semaphore_mem>>) src(%dma_wait3A_39 : memref<80xi32, #tpu.memory_space<hbm>>) dst(%arg8 : memref<80xi32, #tpu.memory_space<vmem>>)
        tpu.yield
      }) : () -> ()
      "tpu.region"() ({
        %run_scoped3A = tpu.sem_alloc : memref<!tpu.dma_semaphore, #tpu.memory_space<semaphore_mem>>
        %dma_start3A_36 = tpu.memref_slice %arg6[%add3A_11] : memref<320000xi32, #tpu.memory_space<hbm>> -> memref<80xi32, #tpu.memory_space<hbm>>
        %dma_start3A_37 = tpu.memref_slice %arg6[%add3A_11] : memref<320000xi32, #tpu.memory_space<hbm>> -> memref<80xi32, #tpu.memory_space<hbm>>
        tpu.enqueue_dma source(%dma_start3A_37 : memref<80xi32, #tpu.memory_space<hbm>>) target(%arg9 : memref<80xi32, #tpu.memory_space<vmem>>) target_semaphore(%run_scoped3A : memref<!tpu.dma_semaphore, #tpu.memory_space<semaphore_mem>>)
        %dma_wait3A_38 = tpu.memref_slice %arg6[%add3A_11] : memref<320000xi32, #tpu.memory_space<hbm>> -> memref<80xi32, #tpu.memory_space<hbm>>
        %dma_wait3A_39 = tpu.memref_slice %arg6[%add3A_11] : memref<320000xi32, #tpu.memory_space<hbm>> -> memref<80xi32, #tpu.memory_space<hbm>>
        tpu.wait_dma2 semaphore(%run_scoped3A : memref<!tpu.dma_semaphore, #tpu.memory_space<semaphore_mem>>) src(%dma_wait3A_39 : memref<80xi32, #tpu.memory_space<hbm>>) dst(%arg9 : memref<80xi32, #tpu.memory_space<vmem>>)
        tpu.yield
      }) : () -> ()
      %dma_start3A = arith.constant 0 : i32
      %dma_start3A_12 = arith.constant 0 : i32
      %dma_start3A_13 = tpu.memref_slice %arg2[%dma_start3A, %dma_start3A_12] : memref<10000x128xf32, #tpu.memory_space<hbm>> -> memref<10000x128xf32, #tpu.memory_space<hbm>>
      tpu.enqueue_indirect_dma source(%dma_start3A_13 : memref<10000x128xf32, #tpu.memory_space<hbm>>) target(%arg11 : memref<80x128xf32, #tpu.memory_space<vmem>>) offsets(%arg8 : memref<80xi32, #tpu.memory_space<vmem>>) semaphore(%arg15 : memref<!tpu.dma_semaphore, #tpu.memory_space<semaphore_mem>>)
      %dma_start3A_14 = arith.constant 0 : i32
      %dma_start3A_15 = arith.constant 0 : i32
      %dma_start3A_16 = tpu.memref_slice %arg3[%dma_start3A_14, %dma_start3A_15] : memref<10000x128xf32, #tpu.memory_space<hbm>> -> memref<10000x128xf32, #tpu.memory_space<hbm>>
      tpu.enqueue_indirect_dma source(%dma_start3A_16 : memref<10000x128xf32, #tpu.memory_space<hbm>>) target(%arg12 : memref<80x128xf32, #tpu.memory_space<vmem>>) offsets(%arg9 : memref<80xi32, #tpu.memory_space<vmem>>) semaphore(%arg16 : memref<!tpu.dma_semaphore, #tpu.memory_space<semaphore_mem>>)
      %dma_start3A_17 = arith.constant 0 : i32
      %dma_start3A_18 = tpu.memref_slice %arg4[%add3A_11, %dma_start3A_17] : memref<320000x128xf32, #tpu.memory_space<hbm>> -> memref<80x128xf32, #tpu.memory_space<hbm>>
      %dma_start3A_19 = arith.constant 0 : i32
      %dma_start3A_20 = tpu.memref_slice %arg4[%add3A_11, %dma_start3A_19] : memref<320000x128xf32, #tpu.memory_space<hbm>> -> memref<80x128xf32, #tpu.memory_space<hbm>>
      tpu.enqueue_dma source(%dma_start3A_20 : memref<80x128xf32, #tpu.memory_space<hbm>>) target(%arg10 : memref<80x128xf32, #tpu.memory_space<vmem>>) target_semaphore(%arg14 : memref<!tpu.dma_semaphore, #tpu.memory_space<semaphore_mem>>)
      %dma_wait3A = arith.constant 0 : i32
      %dma_wait3A_21 = tpu.memref_slice %arg4[%add3A_11, %dma_wait3A] : memref<320000x128xf32, #tpu.memory_space<hbm>> -> memref<80x128xf32, #tpu.memory_space<hbm>>
      %dma_wait3A_22 = arith.constant 0 : i32
      %dma_wait3A_23 = tpu.memref_slice %arg4[%add3A_11, %dma_wait3A_22] : memref<320000x128xf32, #tpu.memory_space<hbm>> -> memref<80x128xf32, #tpu.memory_space<hbm>>
      tpu.wait_dma2 semaphore(%arg14 : memref<!tpu.dma_semaphore, #tpu.memory_space<semaphore_mem>>) src(%dma_wait3A_23 : memref<80x128xf32, #tpu.memory_space<hbm>>) dst(%arg10 : memref<80x128xf32, #tpu.memory_space<vmem>>)
      %dma_wait3A_24 = arith.constant 0 : i32
      %dma_wait3A_25 = arith.constant 0 : i32
      %dma_wait3A_26 = tpu.memref_slice %arg2[%dma_wait3A_24, %dma_wait3A_25] : memref<10000x128xf32, #tpu.memory_space<hbm>> -> memref<10000x128xf32, #tpu.memory_space<hbm>>
      tpu.wait_indirect_dma semaphore(%arg15 : memref<!tpu.dma_semaphore, #tpu.memory_space<semaphore_mem>>) src(%dma_wait3A_26 : memref<10000x128xf32, #tpu.memory_space<hbm>>) dst(%arg11 : memref<80x128xf32, #tpu.memory_space<vmem>>)
      %dma_wait3A_27 = arith.constant 0 : i32
      %dma_wait3A_28 = arith.constant 0 : i32
      %dma_wait3A_29 = tpu.memref_slice %arg3[%dma_wait3A_27, %dma_wait3A_28] : memref<10000x128xf32, #tpu.memory_space<hbm>> -> memref<10000x128xf32, #tpu.memory_space<hbm>>
      tpu.wait_indirect_dma semaphore(%arg16 : memref<!tpu.dma_semaphore, #tpu.memory_space<semaphore_mem>>) src(%dma_wait3A_29 : memref<10000x128xf32, #tpu.memory_space<hbm>>) dst(%arg12 : memref<80x128xf32, #tpu.memory_space<vmem>>)
      %scan3A_30 = arith.constant 0 : i32
      %scan3A_31 = arith.constant 0 : i32
      %scan3A_32 = arith.constant 80 : i32
      %scan3A_33 = arith.addi %scan3A_31, %scan3A_32 : i32
      %scan3A_34 = arith.constant 1 : i32
      scf.for %scan3A_36 = %scan3A_31 to %scan3A_33 step %scan3A_34  : i32 {
        %get3A = arith.index_cast %scan3A_36 : i32 to index
        %get3A_37 = arith.constant 0 : index
        %get3A_38 = tpu.vector_load %arg10[%get3A, %get3A_37] {strides = array<i32>} : memref<80x128xf32, #tpu.memory_space<vmem>>, vector<1x16xf32>,
        %get3A_39 = vector.shape_cast %get3A_38 : vector<1x16xf32> to vector<16xf32>
        %get3A_40 = arith.index_cast %scan3A_36 : i32 to index
        %get3A_41 = arith.constant 0 : index
        %get3A_42 = tpu.vector_load %arg11[%get3A_40, %get3A_41] {strides = array<i32>} : memref<80x128xf32, #tpu.memory_space<vmem>>, vector<1x16xf32>,
        %get3A_43 = vector.shape_cast %get3A_42 : vector<1x16xf32> to vector<16xf32>
        %add3A_44 = arith.addf %get3A_39, %get3A_43 : vector<16xf32>
        %get3A_45 = arith.index_cast %scan3A_36 : i32 to index
        %get3A_46 = arith.constant 0 : index
        %get3A_47 = tpu.vector_load %arg12[%get3A_45, %get3A_46] {strides = array<i32>} : memref<80x128xf32, #tpu.memory_space<vmem>>, vector<1x16xf32>,
        %get3A_48 = vector.shape_cast %get3A_47 : vector<1x16xf32> to vector<16xf32>
        %add3A_49 = arith.addf %add3A_44, %get3A_48 : vector<16xf32>
        %neg3A = arith.constant 0.000000e+00 : f32
        %neg3A_50 = vector.broadcast %neg3A : f32 to vector<16xf32>
        %neg3A_51 = arith.subf %neg3A_50, %add3A_49 : vector<16xf32>
        %exp3A = math.exp %neg3A_51 : vector<16xf32>
        %add3A_52 = arith.constant 1.000000e+00 : f32
        %add3A_53 = vector.broadcast %add3A_52 : f32 to vector<16xf32>
        %add3A_54 = arith.addf %add3A_53, %exp3A : vector<16xf32>
        %div3A = arith.divf %add3A_49, %add3A_54 : vector<16xf32>
        %swap3A = arith.index_cast %scan3A_36 : i32 to index
        %swap3A_55 = arith.constant 0 : index
        %swap3A_56 = tpu.vector_load %arg13[%swap3A, %swap3A_55] {strides = array<i32>} : memref<80x128xf32, #tpu.memory_space<vmem>>, vector<1x16xf32>,
        %swap3A_57 = vector.shape_cast %swap3A_56 : vector<1x16xf32> to vector<16xf32>
        %swap3A_58 = vector.shape_cast %div3A : vector<16xf32> to vector<1x16xf32>
        tpu.vector_store %arg13[%swap3A, %swap3A_55], %swap3A_58 {strides = array<i32>} : memref<80x128xf32, #tpu.memory_space<vmem>>, vector<1x16xf32>,
        %get3A_59 = arith.index_cast %scan3A_36 : i32 to index
        %get3A_60 = arith.constant 16 : index
        %get3A_61 = tpu.vector_load %arg10[%get3A_59, %get3A_60] {strides = array<i32>} : memref<80x128xf32, #tpu.memory_space<vmem>>, vector<1x16xf32>,
        %get3A_62 = vector.shape_cast %get3A_61 : vector<1x16xf32> to vector<16xf32>
        %get3A_63 = arith.index_cast %scan3A_36 : i32 to index
        %get3A_64 = arith.constant 16 : index
        %get3A_65 = tpu.vector_load %arg11[%get3A_63, %get3A_64] {strides = array<i32>} : memref<80x128xf32, #tpu.memory_space<vmem>>, vector<1x16xf32>,
        %get3A_66 = vector.shape_cast %get3A_65 : vector<1x16xf32> to vector<16xf32>
        %add3A_67 = arith.addf %get3A_62, %get3A_66 : vector<16xf32>
        %get3A_68 = arith.index_cast %scan3A_36 : i32 to index
        %get3A_69 = arith.constant 16 : index
        %get3A_70 = tpu.vector_load %arg12[%get3A_68, %get3A_69] {strides = array<i32>} : memref<80x128xf32, #tpu.memory_space<vmem>>, vector<1x16xf32>,
        %get3A_71 = vector.shape_cast %get3A_70 : vector<1x16xf32> to vector<16xf32>
        %add3A_72 = arith.addf %add3A_67, %get3A_71 : vector<16xf32>
        %neg3A_73 = arith.constant 0.000000e+00 : f32
        %neg3A_74 = vector.broadcast %neg3A_73 : f32 to vector<16xf32>
        %neg3A_75 = arith.subf %neg3A_74, %add3A_72 : vector<16xf32>
        %exp3A_76 = math.exp %neg3A_75 : vector<16xf32>
        %add3A_77 = arith.constant 1.000000e+00 : f32
        %add3A_78 = vector.broadcast %add3A_77 : f32 to vector<16xf32>
        %add3A_79 = arith.addf %add3A_78, %exp3A_76 : vector<16xf32>
        %div3A_80 = arith.divf %add3A_72, %add3A_79 : vector<16xf32>
        %swap3A_81 = arith.index_cast %scan3A_36 : i32 to index
        %swap3A_82 = arith.constant 16 : index
        %swap3A_83 = tpu.vector_load %arg13[%swap3A_81, %swap3A_82] {strides = array<i32>} : memref<80x128xf32, #tpu.memory_space<vmem>>, vector<1x16xf32>,
        %swap3A_84 = vector.shape_cast %swap3A_83 : vector<1x16xf32> to vector<16xf32>
        %swap3A_85 = vector.shape_cast %div3A_80 : vector<16xf32> to vector<1x16xf32>
        tpu.vector_store %arg13[%swap3A_81, %swap3A_82], %swap3A_85 {strides = array<i32>} : memref<80x128xf32, #tpu.memory_space<vmem>>, vector<1x16xf32>,
        %get3A_86 = arith.index_cast %scan3A_36 : i32 to index
        %get3A_87 = arith.constant 32 : index
        %get3A_88 = tpu.vector_load %arg10[%get3A_86, %get3A_87] {strides = array<i32>} : memref<80x128xf32, #tpu.memory_space<vmem>>, vector<1x16xf32>,
        %get3A_89 = vector.shape_cast %get3A_88 : vector<1x16xf32> to vector<16xf32>
        %get3A_90 = arith.index_cast %scan3A_36 : i32 to index
        %get3A_91 = arith.constant 32 : index
        %get3A_92 = tpu.vector_load %arg11[%get3A_90, %get3A_91] {strides = array<i32>} : memref<80x128xf32, #tpu.memory_space<vmem>>, vector<1x16xf32>,
        %get3A_93 = vector.shape_cast %get3A_92 : vector<1x16xf32> to vector<16xf32>
        %add3A_94 = arith.addf %get3A_89, %get3A_93 : vector<16xf32>
        %get3A_95 = arith.index_cast %scan3A_36 : i32 to index
        %get3A_96 = arith.constant 32 : index
        %get3A_97 = tpu.vector_load %arg12[%get3A_95, %get3A_96] {strides = array<i32>} : memref<80x128xf32, #tpu.memory_space<vmem>>, vector<1x16xf32>,
        %get3A_98 = vector.shape_cast %get3A_97 : vector<1x16xf32> to vector<16xf32>
        %add3A_99 = arith.addf %add3A_94, %get3A_98 : vector<16xf32>
        %neg3A_100 = arith.constant 0.000000e+00 : f32
        %neg3A_101 = vector.broadcast %neg3A_100 : f32 to vector<16xf32>
        %neg3A_102 = arith.subf %neg3A_101, %add3A_99 : vector<16xf32>
        %exp3A_103 = math.exp %neg3A_102 : vector<16xf32>
        %add3A_104 = arith.constant 1.000000e+00 : f32
        %add3A_105 = vector.broadcast %add3A_104 : f32 to vector<16xf32>
        %add3A_106 = arith.addf %add3A_105, %exp3A_103 : vector<16xf32>
        %div3A_107 = arith.divf %add3A_99, %add3A_106 : vector<16xf32>
        %swap3A_108 = arith.index_cast %scan3A_36 : i32 to index
        %swap3A_109 = arith.constant 32 : index
        %swap3A_110 = tpu.vector_load %arg13[%swap3A_108, %swap3A_109] {strides = array<i32>} : memref<80x128xf32, #tpu.memory_space<vmem>>, vector<1x16xf32>,
        %swap3A_111 = vector.shape_cast %swap3A_110 : vector<1x16xf32> to vector<16xf32>
        %swap3A_112 = vector.shape_cast %div3A_107 : vector<16xf32> to vector<1x16xf32>
        tpu.vector_store %arg13[%swap3A_108, %swap3A_109], %swap3A_112 {strides = array<i32>} : memref<80x128xf32, #tpu.memory_space<vmem>>, vector<1x16xf32>,
        %get3A_113 = arith.index_cast %scan3A_36 : i32 to index
        %get3A_114 = arith.constant 48 : index
        %get3A_115 = tpu.vector_load %arg10[%get3A_113, %get3A_114] {strides = array<i32>} : memref<80x128xf32, #tpu.memory_space<vmem>>, vector<1x16xf32>,
        %get3A_116 = vector.shape_cast %get3A_115 : vector<1x16xf32> to vector<16xf32>
        %get3A_117 = arith.index_cast %scan3A_36 : i32 to index
        %get3A_118 = arith.constant 48 : index
        %get3A_119 = tpu.vector_load %arg11[%get3A_117, %get3A_118] {strides = array<i32>} : memref<80x128xf32, #tpu.memory_space<vmem>>, vector<1x16xf32>,
        %get3A_120 = vector.shape_cast %get3A_119 : vector<1x16xf32> to vector<16xf32>
        %add3A_121 = arith.addf %get3A_116, %get3A_120 : vector<16xf32>
        %get3A_122 = arith.index_cast %scan3A_36 : i32 to index
        %get3A_123 = arith.constant 48 : index
        %get3A_124 = tpu.vector_load %arg12[%get3A_122, %get3A_123] {strides = array<i32>} : memref<80x128xf32, #tpu.memory_space<vmem>>, vector<1x16xf32>,
        %get3A_125 = vector.shape_cast %get3A_124 : vector<1x16xf32> to vector<16xf32>
        %add3A_126 = arith.addf %add3A_121, %get3A_125 : vector<16xf32>
        %neg3A_127 = arith.constant 0.000000e+00 : f32
        %neg3A_128 = vector.broadcast %neg3A_127 : f32 to vector<16xf32>
        %neg3A_129 = arith.subf %neg3A_128, %add3A_126 : vector<16xf32>
        %exp3A_130 = math.exp %neg3A_129 : vector<16xf32>
        %add3A_131 = arith.constant 1.000000e+00 : f32
        %add3A_132 = vector.broadcast %add3A_131 : f32 to vector<16xf32>
        %add3A_133 = arith.addf %add3A_132, %exp3A_130 : vector<16xf32>
        %div3A_134 = arith.divf %add3A_126, %add3A_133 : vector<16xf32>
        %swap3A_135 = arith.index_cast %scan3A_36 : i32 to index
        %swap3A_136 = arith.constant 48 : index
        %swap3A_137 = tpu.vector_load %arg13[%swap3A_135, %swap3A_136] {strides = array<i32>} : memref<80x128xf32, #tpu.memory_space<vmem>>, vector<1x16xf32>,
        %swap3A_138 = vector.shape_cast %swap3A_137 : vector<1x16xf32> to vector<16xf32>
        %swap3A_139 = vector.shape_cast %div3A_134 : vector<16xf32> to vector<1x16xf32>
        tpu.vector_store %arg13[%swap3A_135, %swap3A_136], %swap3A_139 {strides = array<i32>} : memref<80x128xf32, #tpu.memory_space<vmem>>, vector<1x16xf32>,
        %get3A_140 = arith.index_cast %scan3A_36 : i32 to index
        %get3A_141 = arith.constant 64 : index
        %get3A_142 = tpu.vector_load %arg10[%get3A_140, %get3A_141] {strides = array<i32>} : memref<80x128xf32, #tpu.memory_space<vmem>>, vector<1x16xf32>,
        %get3A_143 = vector.shape_cast %get3A_142 : vector<1x16xf32> to vector<16xf32>
        %get3A_144 = arith.index_cast %scan3A_36 : i32 to index
        %get3A_145 = arith.constant 64 : index
        %get3A_146 = tpu.vector_load %arg11[%get3A_144, %get3A_145] {strides = array<i32>} : memref<80x128xf32, #tpu.memory_space<vmem>>, vector<1x16xf32>,
        %get3A_147 = vector.shape_cast %get3A_146 : vector<1x16xf32> to vector<16xf32>
        %add3A_148 = arith.addf %get3A_143, %get3A_147 : vector<16xf32>
        %get3A_149 = arith.index_cast %scan3A_36 : i32 to index
        %get3A_150 = arith.constant 64 : index
        %get3A_151 = tpu.vector_load %arg12[%get3A_149, %get3A_150] {strides = array<i32>} : memref<80x128xf32, #tpu.memory_space<vmem>>, vector<1x16xf32>,
        %get3A_152 = vector.shape_cast %get3A_151 : vector<1x16xf32> to vector<16xf32>
        %add3A_153 = arith.addf %add3A_148, %get3A_152 : vector<16xf32>
        %neg3A_154 = arith.constant 0.000000e+00 : f32
        %neg3A_155 = vector.broadcast %neg3A_154 : f32 to vector<16xf32>
        %neg3A_156 = arith.subf %neg3A_155, %add3A_153 : vector<16xf32>
        %exp3A_157 = math.exp %neg3A_156 : vector<16xf32>
        %add3A_158 = arith.constant 1.000000e+00 : f32
        %add3A_159 = vector.broadcast %add3A_158 : f32 to vector<16xf32>
        %add3A_160 = arith.addf %add3A_159, %exp3A_157 : vector<16xf32>
        %div3A_161 = arith.divf %add3A_153, %add3A_160 : vector<16xf32>
        %swap3A_162 = arith.index_cast %scan3A_36 : i32 to index
        %swap3A_163 = arith.constant 64 : index
        %swap3A_164 = tpu.vector_load %arg13[%swap3A_162, %swap3A_163] {strides = array<i32>} : memref<80x128xf32, #tpu.memory_space<vmem>>, vector<1x16xf32>,
        %swap3A_165 = vector.shape_cast %swap3A_164 : vector<1x16xf32> to vector<16xf32>
        %swap3A_166 = vector.shape_cast %div3A_161 : vector<16xf32> to vector<1x16xf32>
        tpu.vector_store %arg13[%swap3A_162, %swap3A_163], %swap3A_166 {strides = array<i32>} : memref<80x128xf32, #tpu.memory_space<vmem>>, vector<1x16xf32>,
        %get3A_167 = arith.index_cast %scan3A_36 : i32 to index
        %get3A_168 = arith.constant 80 : index
        %get3A_169 = tpu.vector_load %arg10[%get3A_167, %get3A_168] {strides = array<i32>} : memref<80x128xf32, #tpu.memory_space<vmem>>, vector<1x16xf32>,
        %get3A_170 = vector.shape_cast %get3A_169 : vector<1x16xf32> to vector<16xf32>
        %get3A_171 = arith.index_cast %scan3A_36 : i32 to index
        %get3A_172 = arith.constant 80 : index
        %get3A_173 = tpu.vector_load %arg11[%get3A_171, %get3A_172] {strides = array<i32>} : memref<80x128xf32, #tpu.memory_space<vmem>>, vector<1x16xf32>,
        %get3A_174 = vector.shape_cast %get3A_173 : vector<1x16xf32> to vector<16xf32>
        %add3A_175 = arith.addf %get3A_170, %get3A_174 : vector<16xf32>
        %get3A_176 = arith.index_cast %scan3A_36 : i32 to index
        %get3A_177 = arith.constant 80 : index
        %get3A_178 = tpu.vector_load %arg12[%get3A_176, %get3A_177] {strides = array<i32>} : memref<80x128xf32, #tpu.memory_space<vmem>>, vector<1x16xf32>,
        %get3A_179 = vector.shape_cast %get3A_178 : vector<1x16xf32> to vector<16xf32>
        %add3A_180 = arith.addf %add3A_175, %get3A_179 : vector<16xf32>
        %neg3A_181 = arith.constant 0.000000e+00 : f32
        %neg3A_182 = vector.broadcast %neg3A_181 : f32 to vector<16xf32>
        %neg3A_183 = arith.subf %neg3A_182, %add3A_180 : vector<16xf32>
        %exp3A_184 = math.exp %neg3A_183 : vector<16xf32>
        %add3A_185 = arith.constant 1.000000e+00 : f32
        %add3A_186 = vector.broadcast %add3A_185 : f32 to vector<16xf32>
        %add3A_187 = arith.addf %add3A_186, %exp3A_184 : vector<16xf32>
        %div3A_188 = arith.divf %add3A_180, %add3A_187 : vector<16xf32>
        %swap3A_189 = arith.index_cast %scan3A_36 : i32 to index
        %swap3A_190 = arith.constant 80 : index
        %swap3A_191 = tpu.vector_load %arg13[%swap3A_189, %swap3A_190] {strides = array<i32>} : memref<80x128xf32, #tpu.memory_space<vmem>>, vector<1x16xf32>,
        %swap3A_192 = vector.shape_cast %swap3A_191 : vector<1x16xf32> to vector<16xf32>
        %swap3A_193 = vector.shape_cast %div3A_188 : vector<16xf32> to vector<1x16xf32>
        tpu.vector_store %arg13[%swap3A_189, %swap3A_190], %swap3A_193 {strides = array<i32>} : memref<80x128xf32, #tpu.memory_space<vmem>>, vector<1x16xf32>,
        %get3A_194 = arith.index_cast %scan3A_36 : i32 to index
        %get3A_195 = arith.constant 96 : index
        %get3A_196 = tpu.vector_load %arg10[%get3A_194, %get3A_195] {strides = array<i32>} : memref<80x128xf32, #tpu.memory_space<vmem>>, vector<1x16xf32>,
        %get3A_197 = vector.shape_cast %get3A_196 : vector<1x16xf32> to vector<16xf32>
        %get3A_198 = arith.index_cast %scan3A_36 : i32 to index
        %get3A_199 = arith.constant 96 : index
        %get3A_200 = tpu.vector_load %arg11[%get3A_198, %get3A_199] {strides = array<i32>} : memref<80x128xf32, #tpu.memory_space<vmem>>, vector<1x16xf32>,
        %get3A_201 = vector.shape_cast %get3A_200 : vector<1x16xf32> to vector<16xf32>
        %add3A_202 = arith.addf %get3A_197, %get3A_201 : vector<16xf32>
        %get3A_203 = arith.index_cast %scan3A_36 : i32 to index
        %get3A_204 = arith.constant 96 : index
        %get3A_205 = tpu.vector_load %arg12[%get3A_203, %get3A_204] {strides = array<i32>} : memref<80x128xf32, #tpu.memory_space<vmem>>, vector<1x16xf32>,
        %get3A_206 = vector.shape_cast %get3A_205 : vector<1x16xf32> to vector<16xf32>
        %add3A_207 = arith.addf %add3A_202, %get3A_206 : vector<16xf32>
        %neg3A_208 = arith.constant 0.000000e+00 : f32
        %neg3A_209 = vector.broadcast %neg3A_208 : f32 to vector<16xf32>
        %neg3A_210 = arith.subf %neg3A_209, %add3A_207 : vector<16xf32>
        %exp3A_211 = math.exp %neg3A_210 : vector<16xf32>
        %add3A_212 = arith.constant 1.000000e+00 : f32
        %add3A_213 = vector.broadcast %add3A_212 : f32 to vector<16xf32>
        %add3A_214 = arith.addf %add3A_213, %exp3A_211 : vector<16xf32>
        %div3A_215 = arith.divf %add3A_207, %add3A_214 : vector<16xf32>
        %swap3A_216 = arith.index_cast %scan3A_36 : i32 to index
        %swap3A_217 = arith.constant 96 : index
        %swap3A_218 = tpu.vector_load %arg13[%swap3A_216, %swap3A_217] {strides = array<i32>} : memref<80x128xf32, #tpu.memory_space<vmem>>, vector<1x16xf32>,
        %swap3A_219 = vector.shape_cast %swap3A_218 : vector<1x16xf32> to vector<16xf32>
        %swap3A_220 = vector.shape_cast %div3A_215 : vector<16xf32> to vector<1x16xf32>
        tpu.vector_store %arg13[%swap3A_216, %swap3A_217], %swap3A_220 {strides = array<i32>} : memref<80x128xf32, #tpu.memory_space<vmem>>, vector<1x16xf32>,
        %get3A_221 = arith.index_cast %scan3A_36 : i32 to index
        %get3A_222 = arith.constant 112 : index
        %get3A_223 = tpu.vector_load %arg10[%get3A_221, %get3A_222] {strides = array<i32>} : memref<80x128xf32, #tpu.memory_space<vmem>>, vector<1x16xf32>,
        %get3A_224 = vector.shape_cast %get3A_223 : vector<1x16xf32> to vector<16xf32>
        %get3A_225 = arith.index_cast %scan3A_36 : i32 to index
        %get3A_226 = arith.constant 112 : index
        %get3A_227 = tpu.vector_load %arg11[%get3A_225, %get3A_226] {strides = array<i32>} : memref<80x128xf32, #tpu.memory_space<vmem>>, vector<1x16xf32>,
        %get3A_228 = vector.shape_cast %get3A_227 : vector<1x16xf32> to vector<16xf32>
        %add3A_229 = arith.addf %get3A_224, %get3A_228 : vector<16xf32>
        %get3A_230 = arith.index_cast %scan3A_36 : i32 to index
        %get3A_231 = arith.constant 112 : index
        %get3A_232 = tpu.vector_load %arg12[%get3A_230, %get3A_231] {strides = array<i32>} : memref<80x128xf32, #tpu.memory_space<vmem>>, vector<1x16xf32>,
        %get3A_233 = vector.shape_cast %get3A_232 : vector<1x16xf32> to vector<16xf32>
        %add3A_234 = arith.addf %add3A_229, %get3A_233 : vector<16xf32>
        %neg3A_235 = arith.constant 0.000000e+00 : f32
        %neg3A_236 = vector.broadcast %neg3A_235 : f32 to vector<16xf32>
        %neg3A_237 = arith.subf %neg3A_236, %add3A_234 : vector<16xf32>
        %exp3A_238 = math.exp %neg3A_237 : vector<16xf32>
        %add3A_239 = arith.constant 1.000000e+00 : f32
        %add3A_240 = vector.broadcast %add3A_239 : f32 to vector<16xf32>
        %add3A_241 = arith.addf %add3A_240, %exp3A_238 : vector<16xf32>
        %div3A_242 = arith.divf %add3A_234, %add3A_241 : vector<16xf32>
        %swap3A_243 = arith.index_cast %scan3A_36 : i32 to index
        %swap3A_244 = arith.constant 112 : index
        %swap3A_245 = tpu.vector_load %arg13[%swap3A_243, %swap3A_244] {strides = array<i32>} : memref<80x128xf32, #tpu.memory_space<vmem>>, vector<1x16xf32>,
        %swap3A_246 = vector.shape_cast %swap3A_245 : vector<1x16xf32> to vector<16xf32>
        %swap3A_247 = vector.shape_cast %div3A_242 : vector<16xf32> to vector<1x16xf32>
        tpu.vector_store %arg13[%swap3A_243, %swap3A_244], %swap3A_247 {strides = array<i32>} : memref<80x128xf32, #tpu.memory_space<vmem>>, vector<1x16xf32>,
      }
      %scan3A_35 = arith.constant 80 : i32
      "tpu.region"() ({
        %run_scoped3A = tpu.sem_alloc : memref<!tpu.dma_semaphore, #tpu.memory_space<semaphore_mem>>
        %dma_start3A_36 = arith.constant 0 : i32
        %dma_start3A_37 = tpu.memref_slice %arg7[%add3A_11, %dma_start3A_36] : memref<320000x128xf32, #tpu.memory_space<hbm>> -> memref<80x128xf32, #tpu.memory_space<hbm>>
        %dma_start3A_38 = arith.constant 0 : i32
        %dma_start3A_39 = tpu.memref_slice %arg7[%add3A_11, %dma_start3A_38] : memref<320000x128xf32, #tpu.memory_space<hbm>> -> memref<80x128xf32, #tpu.memory_space<hbm>>
        tpu.enqueue_dma source(%arg13 : memref<80x128xf32, #tpu.memory_space<vmem>>) target(%dma_start3A_39 : memref<80x128xf32, #tpu.memory_space<hbm>>) target_semaphore(%run_scoped3A : memref<!tpu.dma_semaphore, #tpu.memory_space<semaphore_mem>>)
        %dma_wait3A_40 = arith.constant 0 : i32
        %dma_wait3A_41 = tpu.memref_slice %arg7[%add3A_11, %dma_wait3A_40] : memref<320000x128xf32, #tpu.memory_space<hbm>> -> memref<80x128xf32, #tpu.memory_space<hbm>>
        %dma_wait3A_42 = arith.constant 0 : i32
        %dma_wait3A_43 = tpu.memref_slice %arg7[%add3A_11, %dma_wait3A_42] : memref<320000x128xf32, #tpu.memory_space<hbm>> -> memref<80x128xf32, #tpu.memory_space<hbm>>
        tpu.wait_dma2 semaphore(%run_scoped3A : memref<!tpu.dma_semaphore, #tpu.memory_space<semaphore_mem>>) src(%arg13 : memref<80x128xf32, #tpu.memory_space<vmem>>) dst(%dma_wait3A_43 : memref<80x128xf32, #tpu.memory_space<hbm>>)
        tpu.yield
      }) : () -> ()
    }
    %scan3A_7 = arith.constant 125 : i32
    return
  }
}

module attributes {stable_mosaic.version = 14 : i64} {
  func.func @_node_mm_body(%arg0: i32, %arg1: memref<2000x128xf32, #tpu.memory_space<vmem>>, %arg2: memref<128x128xf32, #tpu.memory_space<vmem>>, %arg3: memref<128x128xf32, #tpu.memory_space<vmem>>, %arg4: memref<2000x128xf32, #tpu.memory_space<vmem>>, %arg5: memref<2000x128xf32, #tpu.memory_space<vmem>>) attributes {dimension_semantics = [#tpu.dimension_semantics<arbitrary>], iteration_bounds = array<i64: 5>, scalar_prefetch = 0 : i64, scratch_operands = 0 : i64, tpu.core_type = #tpu.core_type<tc>, window_params = [{transform_indices = @transform_0, window_bounds = array<i64: 2000, 128>}, {pipeline_mode = #tpu.pipeline_mode<synchronous>, transform_indices = @transform_1, window_bounds = array<i64: 128, 128>}, {pipeline_mode = #tpu.pipeline_mode<synchronous>, transform_indices = @transform_2, window_bounds = array<i64: 128, 128>}, {transform_indices = @transform_3, window_bounds = array<i64: 2000, 128>}, {transform_indices = @transform_4, window_bounds = array<i64: 2000, 128>}]} {
    %get3A = arith.constant 0 : index
    %get3A_0 = arith.constant 0 : index
    %get3A_1 = vector.load %arg1[%get3A, %get3A_0] : memref<2000x128xf32, #tpu.memory_space<vmem>>, vector<2000x128xf32>
    %get3A_2 = arith.constant 0 : index
    %get3A_3 = arith.constant 0 : index
    %get3A_4 = vector.load %arg2[%get3A_2, %get3A_3] : memref<128x128xf32, #tpu.memory_space<vmem>>, vector<128x128xf32>
    %dot_general3A = arith.constant dense<0.000000e+00> : vector<2000x128xf32>
    %dot_general3A_5 = tpu.matmul %get3A_1, %get3A_4, %dot_general3A {dimension_numbers = #tpu.dot_dimension_numbers<[1], [0], [0], [1], [0, 0, 1, 1], [], []>, transpose_lhs_hint = false} : vector<2000x128xf32>, vector<128x128xf32>, vector<2000x128xf32> -> vector<2000x128xf32>
    %swap3A = arith.constant 0 : index
    %swap3A_6 = arith.constant 0 : index
    %swap3A_7 = vector.load %arg4[%swap3A, %swap3A_6] : memref<2000x128xf32, #tpu.memory_space<vmem>>, vector<2000x128xf32>
    tpu.vector_store %arg4[%swap3A, %swap3A_6], %dot_general3A_5 {strides = array<i32>} : memref<2000x128xf32, #tpu.memory_space<vmem>>, vector<2000x128xf32>,
    %get3A_8 = arith.constant 0 : index
    %get3A_9 = arith.constant 0 : index
    %get3A_10 = vector.load %arg3[%get3A_8, %get3A_9] : memref<128x128xf32, #tpu.memory_space<vmem>>, vector<128x128xf32>
    %dot_general3A_11 = arith.constant dense<0.000000e+00> : vector<2000x128xf32>
    %dot_general3A_12 = tpu.matmul %get3A_1, %get3A_10, %dot_general3A_11 {dimension_numbers = #tpu.dot_dimension_numbers<[1], [0], [0], [1], [0, 0, 1, 1], [], []>, transpose_lhs_hint = false} : vector<2000x128xf32>, vector<128x128xf32>, vector<2000x128xf32> -> vector<2000x128xf32>
    %swap3A_13 = arith.constant 0 : index
    %swap3A_14 = arith.constant 0 : index
    %swap3A_15 = vector.load %arg5[%swap3A_13, %swap3A_14] : memref<2000x128xf32, #tpu.memory_space<vmem>>, vector<2000x128xf32>
    tpu.vector_store %arg5[%swap3A_13, %swap3A_14], %dot_general3A_12 {strides = array<i32>} : memref<2000x128xf32, #tpu.memory_space<vmem>>, vector<2000x128xf32>,
    return
  }
  func.func @transform_0(%arg0: i32) -> (i32, i32) {
    %c0_i32 = arith.constant 0 : i32
    %c0_i32_0 = arith.constant 0 : i32
    return %arg0, %c0_i32 : i32, i32
  }
  func.func @transform_1(%arg0: i32) -> (i32, i32) {
    %c0_i32 = arith.constant 0 : i32
    %c0_i32_0 = arith.constant 0 : i32
    %c0_i32_1 = arith.constant 0 : i32
    return %c0_i32, %c0_i32_0 : i32, i32
  }
  func.func @transform_2(%arg0: i32) -> (i32, i32) {
    %c0_i32 = arith.constant 0 : i32
    %c0_i32_0 = arith.constant 0 : i32
    %c0_i32_1 = arith.constant 0 : i32
    return %c0_i32, %c0_i32_0 : i32, i32
  }
  func.func @transform_3(%arg0: i32) -> (i32, i32) {
    %c0_i32 = arith.constant 0 : i32
    %c0_i32_0 = arith.constant 0 : i32
    return %arg0, %c0_i32 : i32, i32
  }
  func.func @transform_4(%arg0: i32) -> (i32, i32) {
    %c0_i32 = arith.constant 0 : i32
    %c0_i32_0 = arith.constant 0 : i32
    return %arg0, %c0_i32 : i32, i32
  }
}

module attributes {stable_mosaic.version = 14 : i64} {
  func.func @_rbf_mm_body(%arg0: i32, %arg1: memref<4000x16xf32, #tpu.memory_space<vmem>>, %arg2: memref<16x128xf32, #tpu.memory_space<vmem>>, %arg3: memref<4000x128xf32, #tpu.memory_space<vmem>>) attributes {dimension_semantics = [#tpu.dimension_semantics<arbitrary>], iteration_bounds = array<i64: 80>, scalar_prefetch = 0 : i64, scratch_operands = 0 : i64, tpu.core_type = #tpu.core_type<tc>, window_params = [{transform_indices = @transform_0, window_bounds = array<i64: 4000, 16>}, {pipeline_mode = #tpu.pipeline_mode<synchronous>, transform_indices = @transform_1, window_bounds = array<i64: 16, 128>}, {transform_indices = @transform_2, window_bounds = array<i64: 4000, 128>}]} {
    %get3A = arith.constant 0 : index
    %get3A_0 = arith.constant 0 : index
    %get3A_1 = vector.load %arg1[%get3A, %get3A_0] : memref<4000x16xf32, #tpu.memory_space<vmem>>, vector<4000x16xf32>
    %get3A_2 = arith.constant 0 : index
    %get3A_3 = arith.constant 0 : index
    %get3A_4 = vector.load %arg2[%get3A_2, %get3A_3] : memref<16x128xf32, #tpu.memory_space<vmem>>, vector<16x128xf32>
    %dot_general3A = arith.constant dense<0.000000e+00> : vector<4000x128xf32>
    %dot_general3A_5 = tpu.matmul %get3A_1, %get3A_4, %dot_general3A {dimension_numbers = #tpu.dot_dimension_numbers<[1], [0], [0], [1], [0, 0, 1, 1], [], []>, transpose_lhs_hint = false} : vector<4000x16xf32>, vector<16x128xf32>, vector<4000x128xf32> -> vector<4000x128xf32>
    %swap3A = arith.constant 0 : index
    %swap3A_6 = arith.constant 0 : index
    %swap3A_7 = vector.load %arg3[%swap3A, %swap3A_6] : memref<4000x128xf32, #tpu.memory_space<vmem>>, vector<4000x128xf32>
    tpu.vector_store %arg3[%swap3A, %swap3A_6], %dot_general3A_5 {strides = array<i32>} : memref<4000x128xf32, #tpu.memory_space<vmem>>, vector<4000x128xf32>,
    return
  }
  func.func @transform_0(%arg0: i32) -> (i32, i32) {
    %c0_i32 = arith.constant 0 : i32
    %c0_i32_0 = arith.constant 0 : i32
    return %arg0, %c0_i32 : i32, i32
  }
  func.func @transform_1(%arg0: i32) -> (i32, i32) {
    %c0_i32 = arith.constant 0 : i32
    %c0_i32_0 = arith.constant 0 : i32
    %c0_i32_1 = arith.constant 0 : i32
    return %c0_i32, %c0_i32_0 : i32, i32
  }
  func.func @transform_2(%arg0: i32) -> (i32, i32) {
    %c0_i32 = arith.constant 0 : i32
    %c0_i32_0 = arith.constant 0 : i32
    return %arg0, %c0_i32 : i32, i32
  }
}

</mosaic_0001>

<sc_bundles>
// kernel: kernel.5.cloned.1.call-start
scs
__scs_entry_jumppad:
0x0: {  	(pc) =	sbr.rel $0x88, $3  }
0x1: {  	(tag) =	ssettag $0x0;
	lr =	simm.s32 $0x1  }
0x2: {  	[smem:$0x3F9C] =	sst lr;
	_ =	strace $0xD0000000  }
0x3: {  	_ = 	snop  }
0x4: {  	_ = 	snop  }
0x5: {  	_ = 	snop  }
0x6: {  	_ = 	snop  }
0x7: {  	_ = 	snop  }
__scs_overlays_trampoline_lowered:
0x8: {  	[smem:$0x3FAB] =	sst s0  }
0x9: {  	[smem:$0x3FAC] =	sst s1  }
0xa: {  	[smem:$0x3FAD] =	sst s2  }
0xb: {  	[smem:$0x3FAE] =	sst s3  }
0xc: {  	[smem:$0x3FAF] =	sst s4  }
0xd: {  	[smem:$0x3FB0] =	sst s5  }
0xe: {  	[smem:$0x3FB1] =	sst s6  }
0xf: {  	[smem:$0x3FB2] =	sst s7  }
0x10: {  	[smem:$0x3FB3] =	sst s8  }
0x11: {  	[smem:$0x3FB4] =	sst s9;
	s0 =	simm.s32 @!p0 $0x0  }
0x12: {  	s1 =	sld [smem:$0x3F9A];
	s0 =	simm.s32 @p0 $0x1  }
0x13: {  	[smem:$0x3FB5] =	sst s0;
	s0 =	simm.s32 @!p1 $0x0  }
0x14: {  	s2 =	sld [smem:$0x3F99];
	s0 =	simm.s32 @p1 $0x1  }
0x15: {  	[smem:$0x3FB6] =	sst s0;
	s0 =	simm.s32 @!p2 $0x0  }
0x16: {  	s3 =	sld [smem:$0x3FDB];
	s0 =	simm.s32 @p2 $0x1  }
0x17: {  	s4 =	simm.s32 $0x1BF5;
	[smem:$0x3FB8] =	sst s0  }
0x18: {  	s0 =	sld [smem:$0x3F9B];
	_ =	swait.ge [sflag:s4], $0x0  }
0x19: {  	s7 =	sld [smem:$0x3F9C]  }
0x1a: {  	s8 =	sadd.s32 $0xFFFFE003, lr  }
0x1b: {  	s9 =	sadd.s32 $0xFFFFFEF7, lr;
	s5 =	simm.s32 $0xFFFFFFFF;
	p2 =	slt.u32 s8, $0xFFFFF086  }
0x1c: {  	p1 =	slt.u32 s9, $0xF7A;
	s5 =	simm.s32 @!p2 $0x0  }
0x1d: {  	s5 =	simm.s32 @p1 $0x1;
	p0 =	seq.s32 s7, s2  }
0x1e: {  	s7 =	smul.u32 @!p0 $0xF7A, s2;
	p2 =	seq.s32 @!p0 s5, $0x0  }
0x1f: {  	s9 =	smul.u32 $0xF7A, s1;
	s8 =	simm.s32 @!p0 $0x1BF5;
	p2 =	por !p2, p0  }
0x20: {  	[sflag:s8] =	ssyncset.s32 @!p0 $0xFFFFF086;
	s6 =	sadd.s32 @!p0 s3, s7;
	s7 =	simm.s32 @!p0 $0x108  }
0x21: {  	s3 =	sadd.s32 s3, s9;
	s6 =	sadd.s32 @!p0 $0x88, s6;
	s7 =	simm.s32 @p2 $0x1082  }
0x22: {  	[simem:s7], [sflag:s8] =	dma.local @!p0 [hbm:s6], $0xF7A  }
0x23: {  	s9 =	sor.u32 $0xD0000000, s2;
	s6 =	simm.s32 $0x108;
	_ =	swait.ge @!p0 [sflag:s8], $0x0  }
0x24: {  	s3 =	sadd.s32 $0x88, s3;
	s6 =	simm.s32 @!p1 $0x1082;
	[sflag:s4] =	ssyncset.s32 $0xFFFFF086  }
0x25: {  	[simem:s6], [sflag:s4] =	dma.local [hbm:s3], $0xF7A  }
0x26: {  	[smem:$0x3F9C] =	sst s1;
	(tag) =	ssettag s2;
	_ =	strace s9  }
0x27: {  	s1 =	sld [smem:$0x3FAC]  }
0x28: {  	s2 =	sld [smem:$0x3FAD]  }
0x29: {  	s4 =	sld [smem:$0x3FAF]  }
0x2a: {  	p0 =	seq.s32 s5, $0x0;
	s5 =	sld [smem:$0x3FB0]  }
0x2b: {  	s6 =	sld [smem:$0x3FB1]  }
0x2c: {  	s7 =	sld [smem:$0x3FB2]  }
0x2d: {  	s3 =	simm.s32 $0x108;
	s8 =	sld [smem:$0x3FB3]  }
0x2e: {  	s3 =	simm.s32 @!p0 $0x1082;
	s9 =	sld [smem:$0x3FB4]  }
0x2f: {  	lr =	sadd.s32 s0, s3;
	s0 =	sld [smem:$0x3FAB]  }
0x30: {  	s3 =	sld [smem:$0x3FAE]  }
0x31: {  	[smem:$0x3FB7] =	sst s10  }
0x32: {  	s10 =	sld [smem:$0x3FB5];
	_ =	sdelay $0x3  }
0x33: {  	p0 =	seq.s32 s10, $0x1;
	s10 =	sld [smem:$0x3FB7];
	_ =	sdelay $0x3  }
0x34: {  	[smem:$0x3FB7] =	sst s10  }
0x35: {  	s10 =	sld [smem:$0x3FB6];
	_ =	sdelay $0x3  }
0x36: {  	p1 =	seq.s32 s10, $0x1;
	s10 =	sld [smem:$0x3FB7];
	_ =	sdelay $0x3  }
0x37: {  	[smem:$0x3FB7] =	sst s10  }
0x38: {  	s10 =	sld [smem:$0x3FB8]  }
0x39: {  	_ = 	snop;
	(pc) =	sbr.ind lr, $3  }
0x3a: {  	_ = 	snop  }
0x3b: {  	_ = 	snop  }
0x3c: {  	p2 =	seq.s32 s10, $0x1;
	s10 =	sld [smem:$0x3FB7]  }
0x3d: {  	_ =	shalt  }
0x3e: {  	_ =	shalt  }
0x3f: {  	_ =	shalt  }
0x40: {  	_ =	shalt  }
0x41: {  	_ =	shalt  }
0x42: {  	_ =	shalt  }
0x43: {  	_ =	shalt  }
0x44: {  	_ =	shalt  }
0x45: {  	_ =	shalt  }
0x46: {  	_ =	shalt  }
0x47: {  	_ =	shalt  }
0x48: {  	_ =	shalt  }
0x49: {  	_ =	shalt  }
0x4a: {  	_ =	shalt  }
0x4b: {  	_ =	shalt  }
0x4c: {  	_ =	shalt  }
0x4d: {  	_ =	shalt  }
0x4e: {  	_ =	shalt  }
0x4f: {  	_ =	shalt  }
0x50: {  	_ =	shalt  }
0x51: {  	_ =	shalt  }
0x52: {  	_ =	shalt  }
0x53: {  	_ =	shalt  }
0x54: {  	_ =	shalt  }
0x55: {  	_ =	shalt  }
0x56: {  	_ =	shalt  }
0x57: {  	_ =	shalt  }
0x58: {  	_ =	shalt  }
0x59: {  	_ =	shalt  }
0x5a: {  	_ =	shalt  }
0x5b: {  	_ =	shalt  }
0x5c: {  	_ =	shalt  }
0x5d: {  	_ =	shalt  }
0x5e: {  	_ =	shalt  }
0x5f: {  	_ =	shalt  }
0x60: {  	_ =	shalt  }
0x61: {  	_ =	shalt  }
0x62: {  	_ =	shalt  }
0x63: {  	_ =	shalt  }
0x64: {  	_ =	shalt  }
0x65: {  	_ =	shalt  }
0x66: {  	_ =	shalt  }
0x67: {  	_ =	shalt  }
0x68: {  	_ =	shalt  }
0x69: {  	_ =	shalt  }
0x6a: {  	_ =	shalt  }
0x6b: {  	_ =	shalt  }
0x6c: {  	_ =	shalt  }
0x6d: {  	_ =	shalt  }
0x6e: {  	_ =	shalt  }
0x6f: {  	_ =	shalt  }
0x70: {  	_ =	shalt  }
0x71: {  	_ =	shalt  }
0x72: {  	_ =	shalt  }
0x73: {  	_ =	shalt  }
0x74: {  	_ =	shalt  }
0x75: {  	_ =	shalt  }
0x76: {  	_ =	shalt  }
0x77: {  	_ =	shalt  }
0x78: {  	_ =	shalt  }
0x79: {  	_ =	shalt  }
0x7a: {  	_ =	shalt  }
0x7b: {  	_ =	shalt  }
0x7c: {  	_ =	shalt  }
0x7d: {  	_ =	shalt  }
0x7e: {  	_ =	shalt  }
0x7f: {  	_ =	shalt  }
0x80: {  	_ =	shalt  }
0x81: {  	_ =	shalt  }
0x82: {  	_ =	shalt  }
0x83: {  	_ =	shalt  }
0x84: {  	_ =	shalt  }
0x85: {  	_ =	shalt  }
0x86: {  	_ =	shalt  }
0x87: {  	_ =	shalt  }
.Lfunc_end0:
.L_simem_size_0:
called_computation_lowered:
.L_overlay_start_0:
0x88: {  	s2 =	sld [smem:$0x3FD9]  }
0x89: {  	s3 =	sld [smem:$0x3FFE];
	_ =	sdelay $0x1  }
0x8a: {  	s1 =	srdreg.scid  }
0x8b: {  	s0 =	sand.u32 $0x1, s1  }
0x8c: {  	s17 =	sshll.u32 s0, $0xA;
	s2 =	sadd.s32 s3, s2  }
0x8d: {  	s2 =	sadd.s32 s2, s17  }
0x8e: {  	[smem:$0x3FC3] =	sst s2  }
0x8f: {  	_ = 	snop  }
0x90: {  	s2 =	sld [smem:$0x3FC7]  }
0x91: {  	s18 =	sld [smem:$0x3FC6]  }
0x92: {  	s4 =	sld [smem:$0x3FD0];
	(tm) =	ssettm $0x1  }
0x93: {  	s5 =	sld [smem:$0x3FFB];
	_ =	sdelay $0x3  }
0x94: {  	_ =	strace s5  }
0x95: {  	s5 =	sld [smem:$0x3FFC];
	_ =	sdelay $0x3  }
0x96: {  	_ =	strace s5  }
0x97: {  	s5 =	sld [smem:$0x3FFD];
	_ =	sdelay $0x3  }
0x98: {  	_ =	strace s5  }
0x99: {  	_ =	strace $0x8FFFFFFF  }
0x9a: {  	s19 =	sld [smem:$0x3FDB];
	_ =	sdelay $0x1  }
0x9b: {  	s6 =	simm.s32 $_scs_section_size  }
0x9c: {  	s7 =	simm.s32 $_size__tile_overlayer_lowered;
	s8 =	simm.s32 $_tile_overlayer_lowered  }
0x9d: {  	s22 =	simm.s32 $0x1BFF;
	s21 =	sshll.u32 s8, $0x1;
	s5 =	sadd.s32 s6, s19  }
0x9e: {  	s9 =	simm.s32 $0x0;
	s20 =	sshll.u32 s7, $0x1;
	s7 =	sadd.s32 s21, s5  }
0x9f: {  	[timem:s9], [sflag:s22] =	dma.local [hbm:s7], s20  }
0xa0: {  	_ =	swait.ge [sflag:s22], s20  }
0xa1: {  	s6 =	ssub.s32 $0x0, s20;
	[sflag:s22] =	ssyncset.done $0x0  }
0xa2: {  	[sflag:s22] =	ssyncadd.s32 s6;
	_ =	sdelay $0x1  }
0xa3: {  	s23 =	simm.s32 $0x1B8B  }
0xa4: {  	_ =	swait.ge [sflag:s23], $0x1  }
0xa5: {  	[sflag:s23] =	ssyncset.done $0x0  }
0xa6: {  	s25 =	simm.s32 $0x1B8E;
	s24 =	sld [smem:$0x3FFE];
	[sflag:s23] =	ssyncadd.s32 $0xFFFFFFFF  }
0xa7: {  	s26 =	simm.s32 $execute0_lowered;
	[smem:$0x3FD2] =	sst s25  }
0xa8: {  	s7 =	sshll.u32 s26, $0x1;
	_ =	strace $0x80000046;
	[dreg:$0x1] =	wrdreg $0xFFFFFFFF  }
0xa9: {  	s28 =	simm.s32 $_size_execute0_lowered;
	s5 =	sadd.s32 s5, s7;
	[dreg:$0x0] =	wrdreg $0x0  }
0xaa: {  	s7 =	sshll.u32 s28, $0x1;
	[dreg:$0x2] =	wrdreg s5  }
0xab: {  	[dreg:$0x3] =	wrdreg s7  }
0xac: {  	[dreg:$0x4] =	wrdreg $0xC0  }
0xad: {  	_ =	task [dreg:s9], $0x5FFFF  }
0xae: {  	[dreg:$0x1] =	wrdreg $0xFFFFFFFF  }
0xaf: {  	[dreg:$0x0] =	wrdreg $0x60  }
0xb0: {  	[dreg:$0x2] =	wrdreg s24  }
0xb1: {  	[dreg:$0x3] =	wrdreg s2  }
0xb2: {  	[dreg:$0x4] =	wrdreg s18  }
0xb3: {  	[dreg:$0x5] =	wrdreg s4  }
0xb4: {  	[dreg:$0x6] =	wrdreg $0x9  }
0xb5: {  	_ =	task.clear_ibuf [dreg:s9], $0x7FFFF;
	_ =	strace $0x90000046  }
0xb6: {  	s29 =	simm.s32 $0x9;
	_ =	strace $0x80000048  }
0xb7: {  	_ =	swait.ge [sflag:s29], $0x1  }
0xb8: {  	[sflag:s29] =	ssyncadd.s32 $0xFFFFFFFF  }
0xb9: {  	_ =	strace $0x90000048  }
0xba: {  	_ =	sfence  }
0xbb: {  	s30 =	sld [smem:$0x0];
	_ =	sdelay $0x2  }
0xbc: {  	s31 =	sshll.u32 s1, $0xD;
	s1 =	sshrl.u32 s1, $0x2  }
0xbd: {  	s3 =	sand.u32 $0x4000, s31;
	s1 =	sadd.s32 s1, s30  }
0xbe: {  	s0 =	sor.u32 s3, s0;
	s1 =	sshll.u32 s1, $0x11  }
0xbf: {  	s0 =	sor.u32 s1, s0  }
0xc0: {  	s0 =	sadd.s32 $0x8F2B, s0  }
0xc1: {  	[sflag:s0] =	ssyncadd.remote.s32 $0x1  }
0xc2: {  	_ =	sfence.sel $0xFFFF  }
0xc3: {  	[dreg:$0x0] =	wrdreg $0xFFFFFFFF;
	(pc) =	sbr.abs _section_cstart, $3  }
0xc4: {  	[dreg:$0x1] =	wrdreg $0xFFFFFFFF  }
0xc5: {  	_ =	task.clear_ibuf [dreg:s9], $0x2FFFF;
	_ =	strace $0x9FFFFFFF  }
0xc6: {  	(tm) =	ssettm $0x7FFFFFFF  }
0xc7: {  	_ =	shalt  }
tec
execute0_lowered:
.L_overlay_start_1:
0x0: {  	(tag) =	ssettag $0x1  }
0x1: {  	s8 =	rddreg [dreg:$0x0]  }
0x2: {  	s1 =	rddreg [dreg:$0x1]  }
0x3: {  	s2 =	rddreg [dreg:$0x2]  }
0x4: {  	s3 =	rddreg [dreg:$0x3]  }
0x5: {  	s0 =	rddreg [dreg:$0x4]  }
0x6: {  	s5 =	simm.s32 $0x0;
	s6 =	srdreg.scid;
	s4 =	stileid.u32  }
0x7: {  	s13 =	simm.s32 $0x50;
	s14 =	simm.s32 $0x2900;
	s15 =	simm.s32 $0x5100  }
0x8: {  	s16 =	simm.s32 $0x100;
	s17 =	simm.s32 $0x1;
	s18 =	simm.s32 $0x2  }
0x9: {  	s19 =	simm.s32 $0x3;
	s20 =	simm.s32 $0x7900;
	s21 =	simm.s32 $0x0  }
0xa: {  	[smem:$0x7FF] =	sst s5;
	s9 =	sand.u32 $0x1, s6;
	s6 =	sadd.s32 $0x50A600, s8  }
0xb: {  	s11 =	sshll.u32 s4, $0x1;
	s7 =	sadd.s32 $0x4E3400, s8;
	s10 =	ssub.s32 $0x2, s9  }
0xc: {  	s8 =	sadd.s32 $0x1400, s8;
	_ =	strace $0x80000047;
	s12 =	sshrl.u32 s10, $0x1  }
0xd: {  	s9 =	sor.u32 s9, s11;
	s11 =	simm.s32 $0x4;
	s10 =	ssub.s32 s10, s12  }
0xe: {  	s9 =	smul.u32 $0x2710, s9;
	s12 =	simm.s32 $0x80;
	s10 =	smax.u32 s10, $0x1  }
.LBB2_1:
0xf: {  	s22 =	simm.s32 $0x0  }
.LBB2_2:
0x10: {  	s23 =	smul.u32 $0x50, s22;
	_ =	sdelay $0x1  }
0x11: {  	s23 =	sadd.s32 s9, s23  }
0x12: {  	s24 =	sshrl.u32 s23, $0x3  }
0x13: {  	s26 =	simm.s32 $0x0;
	s25 =	sadd.s32 s1, s24  }
0x14: {  	[tilespmem:s26], [sflag:$0x4] =	stream.linear.gather [hbm4b:s25+s26], $0x50, $0x38;
	[tilespmem:$0xA100] =	vst v63  }
0x15: {  	_ =	swait.ge [sflag:s11], $0x50  }
0x16: {  	[sflag:s11] =	ssyncset.done $0x0  }
0x17: {  	s24 =	sadd.s32 s2, s24;
	[sflag:s11] =	ssyncadd.s32 $0xFFFFFFB0  }
0x18: {  	[tilespmem:s12], [sflag:$0x4] =	stream.linear.gather [hbm4b:s24+s26], $0x50, $0x38;
	[tilespmem:$0xA100] =	vst v63  }
0x19: {  	_ =	swait.ge [sflag:s11], $0x50  }
0x1a: {  	[sflag:s11] =	ssyncset.done $0x0  }
0x1b: {  	[sflag:s11] =	ssyncadd.s32 $0xFFFFFFB0  }
0x1c: {  	[tilespmem:s14], [sflag:$0x2] =	stream.indirect.gather [hbm4b:s6+s13], $0x80, s26, s13, $0xb8;
	[tilespmem:$0xA100] =	vst v63  }
0x1d: {  	s23 =	sshll.u32 s23, $0x4  }
0x1e: {  	[tilespmem:s15], [sflag:$0x3] =	stream.indirect.gather [hbm4b:s7+s13], $0x80, s12, s13, $0xb8;
	[tilespmem:$0xA100] =	vst v63  }
0x1f: {  	s31 =	sadd.s32 s8, s23  }
0x20: {  	[tilespmem:s16], [sflag:$0x1] =	stream.linear.gather [hbm4b:s31+s26], $0x2800, $0x38;
	[tilespmem:$0xA100] =	vst v63  }
0x21: {  	_ =	swait.ge [sflag:s17], $0x2800  }
0x22: {  	[sflag:s17] =	ssyncset.done $0x0  }
0x23: {  	[sflag:s17] =	ssyncadd.s32 $0xFFFFD800  }
0x24: {  	_ =	swait.ge [sflag:s18], $0x2800  }
0x25: {  	[sflag:s18] =	ssyncset.done $0x0  }
0x26: {  	[sflag:s18] =	ssyncadd.s32 $0xFFFFD800  }
0x27: {  	_ =	swait.ge [sflag:s19], $0x2800  }
0x28: {  	[sflag:s19] =	ssyncset.done $0x0  }
0x29: {  	s26 =	simm.s32 $0x0;
	[sflag:s19] =	ssyncadd.s32 $0xFFFFD800  }
0x2a: {  	v0 =	vld [tilespmem:s26+$0x170]  }
0x2b: {  	v1 =	vld [tilespmem:s26+$0x2970];
	_ =	sdelay $0x1  }
0x2c: {  	v3 =	vld [tilespmem:s26+$0x5170];
	_ =	sdelay $0x1  }
0x2d: {  	v2 =	vld [tilespmem:s26+$0x100]  }
0x2e: {  	v4 =	vld [tilespmem:s26+$0x2900];
	v0 =	vadd.f32 v1, v0  }
0x2f: {  	v5 =	vld [tilespmem:s26+$0x110]  }
0x30: {  	v6 =	vld [tilespmem:s26+$0x2910];
	v0 =	vadd.f32 v3, v0  }
0x31: {  	v7 =	vld [tilespmem:s26+$0x2920]  }
0x32: {  	v8 =	vld [tilespmem:s26+$0x2930];
	v9 =	vsub.f32 $0.0e+00, v0  }
0x33: {  	v10 =	vld [tilespmem:s26+$0x140]  }
0x34: {  	v11 =	vld [tilespmem:s26+$0x2940];
	v9 =	vmul.f32 $1.442695020e+00, v9  }
0x35: {  	v12 =	vld [tilespmem:s26+$0x150]  }
0x36: {  	v13 =	vld [tilespmem:s26+$0x2950];
	(erf) = vpow2.f32 v9  }
0x37: {  	v14 =	vld [tilespmem:s26+$0x2960]  }
0x38: {  	v15 =	vld [tilespmem:s26+$0x5100]  }
0x39: {  	v16 =	vld [tilespmem:s26+$0x5110]  }
0x3a: {  	v17 =	vld [tilespmem:s26+$0x5120]  }
0x3b: {  	v18 =	vld [tilespmem:s26+$0x5130]  }
0x3c: {  	v19 =	vld [tilespmem:s26+$0x5140]  }
0x3d: {  	v20 =	vld [tilespmem:s26+$0x5150]  }
0x3e: {  	v21 =	vld [tilespmem:s26+$0x5160]  }
0x3f: {  	v1 =	vld [tilespmem:s26+$0x120];
	v22 =	vpop (erf)  }
0x40: {  	s24 =	simm.s32 $0x80;
	v3 =	vld [tilespmem:s26+$0x130];
	v22 =	vadd.f32 $1.000000000e+00, v22  }
0x41: {  	v23 =	vld [tilespmem:s24+$0x170];
	v2 =	vadd.f32 v4, v2  }
0x42: {  	v24 =	vld [tilespmem:s24+$0x2970];
	v5 =	vadd.f32 v6, v5;
	(erf) = vrcp.f32 v22  }
0x43: {  	v25 =	vld [tilespmem:s24+$0x100];
	v15 =	vadd.f32 v15, v2;
	v2 =	vadd.f32 v11, v10  }
0x44: {  	v27 =	vld [tilespmem:s24+$0x2940];
	v10 =	vadd.f32 v16, v5;
	v1 =	vadd.f32 v7, v1  }
0x45: {  	v4 =	vld [tilespmem:s24+$0x5170];
	v16 =	vsub.f32 $0.0e+00, v15;
	v3 =	vadd.f32 v8, v3  }
0x46: {  	v28 =	vld [tilespmem:s24+$0x150];
	v11 =	vadd.f32 v19, v2;
	v1 =	vadd.f32 v17, v1  }
0x47: {  	v6 =	vld [tilespmem:s24+$0x2900];
	v2 =	vmul.f32 $1.442695020e+00, v16;
	v8 =	vadd.f32 v18, v3;
	v3 =	vsub.f32 $0.0e+00, v10  }
0x48: {  	v23 =	vadd.f32 v24, v23;
	v9 =	vld [tilespmem:s26+$0x160];
	v22 =	vsub.f32 $0.0e+00, v1  }
0x49: {  	v24 =	vld [tilespmem:s24+$0x130];
	v3 =	vmul.f32 $1.442695020e+00, v3  }
0x4a: {  	v5 =	vld [tilespmem:s24+$0x2910];
	v23 =	vadd.f32 v4, v23;
	(erf) = vpow2.f32 v2;
	v22 =	vmul.f32 $1.442695020e+00, v22  }
0x4b: {  	v19 =	vld [tilespmem:s24+$0x2930];
	v26 =	vsub.f32 $0.0e+00, v11;
	v16 =	vsub.f32 $0.0e+00, v8;
	(erf) = vpow2.f32 v3;
	v2 =	vpop (erf)  }
0x4c: {  	v7 =	vld [tilespmem:s24+$0x110];
	(erf) = vpow2.f32 v22;
	v0 =	vmul.f32 v2, v0;
	v2 =	vadd.f32 v13, v12  }
0x4d: {  	v4 =	vld [tilespmem:s24+$0x140];
	v16 =	vmul.f32 $1.442695020e+00, v16;
	v9 =	vadd.f32 v14, v9;
	v3 =	vsub.f32 $0.0e+00, v23  }
0x4e: {  	v17 =	vld [tilespmem:s24+$0x120];
	v12 =	vmul.f32 $1.442695020e+00, v26;
	v2 =	vadd.f32 v20, v2  }
0x4f: {  	v18 =	vld [tilespmem:s24+$0x2920];
	v14 =	vmul.f32 $1.442695020e+00, v3;
	v3 =	vadd.f32 v21, v9;
	(erf) = vpow2.f32 v16  }
0x50: {  	v13 =	vld [tilespmem:s24+$0x2950];
	[tilespmem:s26+$0x7970] =	vst v0;
	(erf) = vpow2.f32 v12;
	v9 =	vsub.f32 $0.0e+00, v2  }
0x51: {  	v16 =	vsub.f32 $0.0e+00, v3;
	v0 =	vld [tilespmem:s24+$0x160];
	(erf) = vpow2.f32 v14  }
0x52: {  	v12 =	vld [tilespmem:s24+$0x2960];
	v9 =	vmul.f32 $1.442695020e+00, v9  }
0x53: {  	v16 =	vmul.f32 $1.442695020e+00, v16;
	v22 =	vpop (erf);
	v14 =	vld [tilespmem:s24+$0x5100]  }
0x54: {  	v20 =	vld [tilespmem:s24+$0x5110];
	(erf) = vpow2.f32 v9;
	v9 =	vadd.f32 $1.000000000e+00, v22;
	v22 =	vpop (erf)  }
0x55: {  	v21 =	vld [tilespmem:s24+$0x5120];
	(erf) = vpow2.f32 v16;
	v16 =	vadd.f32 $1.000000000e+00, v22;
	v22 =	vpop (erf)  }
0x56: {  	v26 =	vld [tilespmem:s24+$0x5130];
	v22 =	vadd.f32 $1.000000000e+00, v22  }
0x57: {  	v29 =	vld [tilespmem:s24+$0x5140]  }
0x58: {  	v30 =	vld [tilespmem:s24+$0x5150];
	(erf) = vrcp.f32 v9;
	v9 =	vpop (erf)  }
0x59: {  	s25 =	simm.s32 $0x100;
	v6 =	vadd.f32 v6, v25;
	v31 =	vld [tilespmem:s24+$0x5160];
	(erf) = vrcp.f32 v16;
	v9 =	vadd.f32 $1.000000000e+00, v9;
	v16 =	vpop (erf)  }
0x5a: {  	v5 =	vadd.f32 v5, v7;
	v32 =	vld [tilespmem:s25+$0x170];
	(erf) = vrcp.f32 v22;
	v22 =	vpop (erf);
	v16 =	vadd.f32 $1.000000000e+00, v16  }
0x5b: {  	v4 =	vadd.f32 v27, v4;
	v33 =	vld [tilespmem:s25+$0x2970];
	(erf) = vrcp.f32 v9;
	v9 =	vadd.f32 $1.000000000e+00, v22  }
0x5c: {  	v17 =	vadd.f32 v18, v17;
	v18 =	vadd.f32 v19, v24;
	v25 =	vld [tilespmem:s25+$0x2900];
	(erf) = vrcp.f32 v16  }
0x5d: {  	v19 =	vld [tilespmem:s25+$0x110];
	v13 =	vadd.f32 v13, v28;
	(erf) = vrcp.f32 v9;
	v9 =	vadd.f32 v14, v6  }
0x5e: {  	v24 =	vld [tilespmem:s25+$0x2910];
	v12 =	vadd.f32 v12, v0;
	v7 =	vadd.f32 v20, v5  }
0x5f: {  	v16 =	vld [tilespmem:s25+$0x5170];
	v14 =	vpop (erf);
	v6 =	vadd.f32 v21, v17;
	v0 =	vsub.f32 $0.0e+00, v9  }
0x60: {  	v58 =	vld [tilespmem:s25+$0x120];
	v5 =	vadd.f32 v26, v18;
	v4 =	vadd.f32 v29, v4;
	v27 =	vpop (erf)  }
0x61: {  	v34 =	vld [tilespmem:s25+$0x2920];
	v21 =	vsub.f32 $0.0e+00, v7;
	v20 =	vpop (erf);
	v36 =	vsub.f32 $0.0e+00, v6;
	v26 =	vmul.f32 $1.442695020e+00, v0  }
0x62: {  	v35 =	vld [tilespmem:s25+$0x2930];
	v60 =	vadd.f32 v33, v32;
	v62 =	vsub.f32 $0.0e+00, v5;
	v15 =	vmul.f32 v20, v15;
	v17 =	vpop (erf)  }
0x63: {  	v61 =	vld [tilespmem:s25+$0x2940];
	v21 =	vmul.f32 $1.442695020e+00, v21;
	v0 =	vadd.f32 v30, v13;
	v36 =	vmul.f32 $1.442695020e+00, v36;
	v59 =	vpop (erf)  }
0x64: {  	v18 =	vld [tilespmem:s25+$0x130];
	v17 =	vmul.f32 v17, v10;
	v10 =	vadd.f32 v16, v60;
	(erf) = vpow2.f32 v26;
	v13 =	vpop (erf)  }
0x65: {  	v22 =	vld [tilespmem:s25+$0x100];
	v29 =	vmul.f32 v59, v1;
	(erf) = vpow2.f32 v21;
	v21 =	vsub.f32 $0.0e+00, v4;
	v26 =	vpop (erf)  }
0x66: {  	v20 =	vld [tilespmem:s25+$0x140];
	[tilespmem:s26+$0x7900] =	vst v15;
	v30 =	vsub.f32 $0.0e+00, v10;
	(erf) = vpow2.f32 v36;
	v8 =	vmul.f32 v13, v8;
	v15 =	vpop (erf)  }
0x67: {  	v1 =	vadd.f32 v31, v12;
	v15 =	vmul.f32 v15, v23;
	v23 =	vmul.f32 $1.442695020e+00, v62  }
0x68: {  	v16 =	vld [tilespmem:s25+$0x150];
	[tilespmem:s26+$0x7910] =	vst v17;
	v17 =	vsub.f32 $0.0e+00, v0;
	v21 =	vmul.f32 $1.442695020e+00, v21;
	v12 =	vmul.f32 $1.442695020e+00, v30  }
0x69: {  	v63 =	vld [tilespmem:s25+$0x2950];
	v13 =	vsub.f32 $0.0e+00, v1;
	v11 =	vmul.f32 v26, v11;
	[tilespmem:s24+$0x7970] =	vst v15;
	(erf) = vpow2.f32 v23  }
0x6a: {  	v17 =	vmul.f32 $1.442695020e+00, v17;
	v23 =	vld [tilespmem:s25+$0x160];
	(erf) = vpow2.f32 v21;
	[tilespmem:s26+$0x7920] =	vst v29  }
0x6b: {  	(erf) = vpow2.f32 v12;
	v12 =	vld [tilespmem:s25+$0x2960];
	[tilespmem:s26+$0x7930] =	vst v8;
	v8 =	vadd.f32 $1.000000000e+00, v14;
	v14 =	vmul.f32 $1.442695020e+00, v13  }
0x6c: {  	(erf) = vpow2.f32 v17  }
0x6d: {  	v17 =	vadd.f32 v25, v22;
	v22 =	vld [tilespmem:s25+$0x5100];
	[tilespmem:s26+$0x7940] =	vst v11;
	v11 =	vpop (erf);
	(erf) = vpow2.f32 v14  }
0x6e: {  	v21 =	vadd.f32 $1.000000000e+00, v27;
	(erf) = vrcp.f32 v8;
	v8 =	vadd.f32 $1.000000000e+00, v11;
	_ =	sdelay $0x1  }
0x6f: {  	v24 =	vadd.f32 v24, v19;
	v13 =	vadd.f32 v35, v18;
	v18 =	vld [tilespmem:s25+$0x5110];
	v11 =	vpop (erf);
	(erf) = vrcp.f32 v21  }
0x70: {  	v26 =	vld [tilespmem:s25+$0x5120];
	v14 =	vadd.f32 v63, v16;
	v11 =	vadd.f32 $1.000000000e+00, v11;
	v16 =	vpop (erf)  }
0x71: {  	v15 =	vadd.f32 v61, v20;
	v21 =	vld [tilespmem:s25+$0x5130];
	v27 =	vadd.f32 $1.000000000e+00, v16;
	(erf) = vrcp.f32 v8;
	v8 =	vpop (erf)  }
0x72: {  	v20 =	vld [tilespmem:s25+$0x5140];
	v16 =	vadd.f32 v12, v23;
	(erf) = vrcp.f32 v11;
	v12 =	vadd.f32 $1.000000000e+00, v8  }
0x73: {  	v25 =	vadd.f32 v34, v58;
	v19 =	vld [tilespmem:s25+$0x5150];
	v8 =	vadd.f32 v22, v17;
	v17 =	vpop (erf);
	(erf) = vrcp.f32 v27  }
0x74: {  	s28 =	simm.s32 $0x180;
	v11 =	vadd.f32 v18, v24;
	v18 =	vld [tilespmem:s25+$0x5160];
	v24 =	vpop (erf);
	v23 =	vadd.f32 $1.000000000e+00, v17;
	(erf) = vrcp.f32 v12  }
0x75: {  	s29 =	simm.s32 $0x800;
	v22 =	vld [tilespmem:s28+$0x170];
	v12 =	vadd.f32 v26, v25;
	v24 =	vadd.f32 $1.000000000e+00, v24;
	v17 =	vpop (erf)  }
.LBB2_3:
0x76: {  	p0 =	sne.s32 s29, $0x9E00;
	v25 =	vld [tilespmem:s28+$0x2970];
	v26 =	vsub.f32 $0.0e+00, v8;
	v13 =	vadd.f32 v21, v13;
	(erf) = vrcp.f32 v23;
	v21 =	vpop (erf)  }
0x77: {  	v27 =	vsub.f32 $0.0e+00, v11;
	v23 =	vld [tilespmem:s28+$0x100];
	v15 =	vadd.f32 v20, v15;
	(erf) = vrcp.f32 v24;
	v20 =	vpop (erf)  }
0x78: {  	v28 =	vsub.f32 $0.0e+00, v12;
	v24 =	vld [tilespmem:s28+$0x5170];
	v26 =	vmul.f32 $1.442695020e+00, v26;
	v14 =	vadd.f32 v19, v14;
	v19 =	vpop (erf)  }
0x79: {  	v27 =	vmul.f32 $1.442695020e+00, v27;
	v30 =	vsub.f32 $0.0e+00, v13;
	v29 =	vld [tilespmem:s28+$0x2900];
	v16 =	vadd.f32 v18, v16  }
0x7a: {  	v28 =	vmul.f32 $1.442695020e+00, v28;
	v31 =	vsub.f32 $0.0e+00, v15;
	v18 =	vld [tilespmem:s28+$0x110];
	v32 =	vsub.f32 $0.0e+00, v14;
	v33 =	vpop (erf)  }
0x7b: {  	v34 =	vld [tilespmem:s28+$0x2910];
	v22 =	vadd.f32 v25, v22;
	v25 =	vmul.f32 $1.442695020e+00, v30;
	v30 =	vsub.f32 $0.0e+00, v16;
	v35 =	vpop (erf)  }
0x7c: {  	v17 =	vadd.f32 $1.000000000e+00, v17;
	v31 =	vmul.f32 $1.442695020e+00, v31;
	v36 =	vld [tilespmem:s28+$0x120];
	v32 =	vmul.f32 $1.442695020e+00, v32;
	v37 =	vpop (erf)  }
0x7d: {  	v38 =	vld [tilespmem:s28+$0x2920];
	v22 =	vadd.f32 v24, v22;
	v24 =	vmul.f32 $1.442695020e+00, v30;
	(erf) = vpow2.f32 v26;
	v26 =	vpop (erf)  }
0x7e: {  	v21 =	vadd.f32 $1.000000000e+00, v21;
	v23 =	vadd.f32 v29, v23;
	v29 =	vld [tilespmem:s28+$0x130];
	(erf) = vpow2.f32 v27  }
0x7f: {  	v39 =	vmul.f32 v33, v9;
	v27 =	vld [tilespmem:s28+$0x2930];
	v30 =	vsub.f32 $0.0e+00, v22;
	(erf) = vpow2.f32 v28;
	v28 =	vpop (erf)  }
0x80: {  	v18 =	vadd.f32 v34, v18;
	v33 =	vld [tilespmem:s28+$0x140];
	(erf) = vpow2.f32 v25;
	v25 =	vpop (erf);
	v34 =	vmul.f32 v35, v7  }
0x81: {  	v9 =	vmovc v8;
	v7 =	vmovc v11;
	v35 =	vld [tilespmem:s28+$0x2940];
	v30 =	vmul.f32 $1.442695020e+00, v30;
	v25 =	vmul.f32 v25, v10;
	[tilespmem:s24+$0x7900] =	vst v39;
	v10 =	vmov v22  }
0x82: {  	v11 =	vmul.f32 v37, v6;
	v6 =	vmovc v12;
	v36 =	vadd.f32 v38, v36;
	v8 =	vld [tilespmem:s28+$0x150];
	(erf) = vpow2.f32 v31;
	[tilespmem:s24+$0x7910] =	vst v34  }
0x83: {  	v22 =	vmul.f32 v26, v5;
	v5 =	vmov v13;
	v12 =	vld [tilespmem:s28+$0x2950];
	(erf) = vpow2.f32 v30;
	[tilespmem:s25+$0x7970] =	vst v25  }
0x84: {  	v13 =	vadd.f32 v27, v29;
	v25 =	vld [tilespmem:s28+$0x160];
	(erf) = vpow2.f32 v32;
	[tilespmem:s24+$0x7920] =	vst v11;
	v11 =	vmul.f32 v28, v4;
	v4 =	vmovc v15  }
0x85: {  	v20 =	vmul.f32 v20, v2;
	v2 =	vmovc v0;
	v0 =	vmov v14;
	v26 =	vld [tilespmem:s28+$0x2960];
	(erf) = vpow2.f32 v24;
	[tilespmem:s24+$0x7930] =	vst v22  }
0x86: {  	v22 =	vld [tilespmem:s28+$0x5100];
	v15 =	vadd.f32 v35, v33;
	v14 =	vpop (erf);
	[tilespmem:s24+$0x7940] =	vst v11;
	(erf) = vrcp.f32 v17;
	v11 =	vmul.f32 v19, v3  }
0x87: {  	v3 =	vmov v1;
	v17 =	vld [tilespmem:s28+$0x5110];
	v19 =	vadd.f32 $1.000000000e+00, v14;
	v24 =	vpop (erf);
	(erf) = vrcp.f32 v21;
	[tilespmem:s26+$0x7950] =	vst v20  }
0x88: {  	v1 =	vmov v16;
	v27 =	vld [tilespmem:s28+$0x5120];
	v14 =	vadd.f32 v12, v8;
	v8 =	vadd.f32 $1.000000000e+00, v24;
	v12 =	vpop (erf);
	[tilespmem:s26+$0x7960] =	vst v11;
	s26 =	smov.u32 s24;
	s24 =	smov.u32 s25;
	s25 =	smov.u32 s28  }
.Ltmp0:
0x89: {  	v21 =	vld [tilespmem:s25+$0x5130];
	v11 =	vadd.f32 $1.000000000e+00, v12;
	(erf) = vrcp.f32 v19;
	v12 =	vpop (erf);
	(pc) =	sbr.rel @p0 .LBB2_3-.Ltmp0, $4  }
0x8a: {  	v20 =	vld [tilespmem:s25+$0x5140];
	v16 =	vadd.f32 v26, v25;
	v12 =	vadd.f32 $1.000000000e+00, v12;
	(erf) = vrcp.f32 v8  }
0x8b: {  	v8 =	vadd.f32 v22, v23;
	v19 =	vld [tilespmem:s25+$0x5150];
	(erf) = vrcp.f32 v11;
	v22 =	vpop (erf)  }
0x8c: {  	s28 =	sshra.s32 s29, $0x2;
	v11 =	vadd.f32 v17, v18;
	v18 =	vld [tilespmem:s25+$0x5160];
	v17 =	vpop (erf);
	v23 =	vadd.f32 $1.000000000e+00, v22;
	(erf) = vrcp.f32 v12  }
0x8d: {  	s29 =	sadd.s32 $0x200, s29;
	v22 =	vld [tilespmem:s28+$0x170];
	v12 =	vadd.f32 v27, v36;
	v24 =	vadd.f32 $1.000000000e+00, v17;
	v17 =	vpop (erf)  }
0x8e: {  	v25 =	vld [tilespmem:s28+$0x2970]  }
0x8f: {  	v26 =	vld [tilespmem:s28+$0x100];
	(erf) = vrcp.f32 v23  }
0x90: {  	v27 =	vld [tilespmem:s28+$0x5170];
	v28 =	vpop (erf);
	v36 =	vsub.f32 $0.0e+00, v8;
	(erf) = vrcp.f32 v24  }
0x91: {  	v63 =	vld [tilespmem:s28+$0x2900];
	v30 =	vpop (erf)  }
0x92: {  	v45 =	vld [tilespmem:s28+$0x110];
	v32 =	vpop (erf);
	v36 =	vmul.f32 $1.442695020e+00, v36  }
0x93: {  	v29 =	vld [tilespmem:s28+$0x2910];
	v46 =	vsub.f32 $0.0e+00, v11;
	v47 =	vsub.f32 $0.0e+00, v12;
	v34 =	vpop (erf)  }
0x94: {  	v31 =	vld [tilespmem:s28+$0x120];
	(erf) = vpow2.f32 v36;
	v34 =	vmul.f32 v34, v9;
	v9 =	vadd.f32 v21, v13  }
0x95: {  	v33 =	vld [tilespmem:s28+$0x2920];
	v37 =	vpop (erf);
	v13 =	vadd.f32 v20, v15;
	v21 =	vmul.f32 $1.442695020e+00, v46;
	v22 =	vadd.f32 v25, v22  }
0x96: {  	v35 =	vld [tilespmem:s28+$0x130];
	v15 =	vmul.f32 $1.442695020e+00, v47;
	v39 =	vpop (erf);
	v7 =	vmul.f32 v37, v7;
	v50 =	vsub.f32 $0.0e+00, v9  }
0x97: {  	v38 =	vld [tilespmem:s28+$0x2930];
	v41 =	vpop (erf);
	v22 =	vadd.f32 v27, v22;
	v51 =	vsub.f32 $0.0e+00, v13;
	(erf) = vpow2.f32 v21  }
0x98: {  	v40 =	vld [tilespmem:s28+$0x140];
	v6 =	vmul.f32 v39, v6;
	v48 =	vpop (erf);
	v53 =	vmul.f32 $1.442695020e+00, v50  }
0x99: {  	v42 =	vld [tilespmem:s28+$0x2940];
	[tilespmem:s24+$0x7900] =	vst v34;
	(erf) = vpow2.f32 v15;
	v54 =	vmul.f32 $1.442695020e+00, v51;
	v55 =	vsub.f32 $0.0e+00, v22;
	v49 =	vpop (erf)  }
0x9a: {  	v34 =	vld [tilespmem:s28+$0x150];
	[tilespmem:s24+$0x7910] =	vst v7;
	v7 =	vadd.f32 v19, v14;
	v10 =	vmul.f32 v49, v10;
	(erf) = vpow2.f32 v53  }
0x9b: {  	v57 =	vmul.f32 v41, v5;
	v5 =	vadd.f32 v18, v16;
	v59 =	vmul.f32 $1.442695020e+00, v55  }
0x9c: {  	v62 =	vadd.f32 $1.000000000e+00, v17;
	v52 =	vld [tilespmem:s28+$0x2950];
	v58 =	vsub.f32 $0.0e+00, v7;
	(erf) = vpow2.f32 v54;
	[tilespmem:s25+$0x7970] =	vst v10  }
0x9d: {  	v4 =	vmul.f32 v48, v4;
	v61 =	vsub.f32 $0.0e+00, v5;
	(erf) = vpow2.f32 v59;
	v56 =	vld [tilespmem:s28+$0x160];
	[tilespmem:s24+$0x7920] =	vst v6  }
0x9e: {  	v28 =	vadd.f32 $1.000000000e+00, v28;
	v2 =	vmul.f32 v30, v2;
	v6 =	vmul.f32 $1.442695020e+00, v58;
	v60 =	vld [tilespmem:s28+$0x2960];
	[tilespmem:s24+$0x7930] =	vst v57  }
0x9f: {  	v3 =	vmul.f32 v32, v3;
	v63 =	vadd.f32 v63, v26;
	v27 =	vmul.f32 $1.442695020e+00, v61;
	v14 =	vld [tilespmem:s28+$0x5100];
	[tilespmem:s24+$0x7940] =	vst v4  }
0xa0: {  	v29 =	vadd.f32 v29, v45;
	v31 =	vadd.f32 v33, v31;
	v33 =	vpop (erf);
	(erf) = vpow2.f32 v6;
	v30 =	vld [tilespmem:s28+$0x5110];
	[tilespmem:s26+$0x7950] =	vst v2  }
0xa1: {  	v35 =	vadd.f32 v38, v35;
	v36 =	vadd.f32 v42, v40;
	v37 =	vpop (erf);
	(erf) = vpow2.f32 v27;
	v38 =	vld [tilespmem:s28+$0x5120]  }
0xa2: {  	v39 =	vadd.f32 v52, v34;
	v6 =	vadd.f32 $1.000000000e+00, v33;
	v40 =	vpop (erf);
	(erf) = vrcp.f32 v62;
	[tilespmem:s26+$0x7960] =	vst v3  }
0xa3: {  	v41 =	vadd.f32 $1.000000000e+00, v37;
	v21 =	vadd.f32 $1.000000000e+00, v40;
	(erf) = vrcp.f32 v28;
	v42 =	vld [tilespmem:s28+$0x5130];
	v43 =	vpop (erf)  }
0xa4: {  	v44 =	vld [tilespmem:s28+$0x5140];
	(erf) = vrcp.f32 v6;
	v15 =	vadd.f32 v60, v56;
	v45 =	vadd.f32 $1.000000000e+00, v43  }
0xa5: {  	(erf) = vrcp.f32 v41;
	v3 =	vadd.f32 v14, v63;
	v46 =	vpop (erf);
	v17 =	vadd.f32 v30, v29  }
0xa6: {  	(erf) = vrcp.f32 v21;
	v47 =	vpop (erf);
	v14 =	vadd.f32 $1.000000000e+00, v46;
	v20 =	vadd.f32 v38, v31  }
0xa7: {  	v48 =	vld [tilespmem:s28+$0x5150];
	(erf) = vrcp.f32 v45;
	v49 =	vadd.f32 $1.000000000e+00, v47;
	v50 =	vsub.f32 $0.0e+00, v3  }
0xa8: {  	v51 =	vld [tilespmem:s28+$0x5160];
	v2 =	vadd.f32 v42, v35;
	(erf) = vrcp.f32 v14;
	v52 =	vsub.f32 $0.0e+00, v17  }
0xa9: {  	v4 =	vadd.f32 v44, v36;
	v53 =	vmul.f32 $1.442695020e+00, v50;
	v54 =	vsub.f32 $0.0e+00, v20  }
0xaa: {  	v55 =	vpop (erf);
	(erf) = vrcp.f32 v49;
	v10 =	vmul.f32 $1.442695020e+00, v52;
	v56 =	vsub.f32 $0.0e+00, v2  }
0xab: {  	v57 =	vpop (erf);
	v58 =	vsub.f32 $0.0e+00, v4;
	v14 =	vmul.f32 $1.442695020e+00, v54;
	(erf) = vpow2.f32 v53  }
0xac: {  	v16 =	vadd.f32 v48, v39;
	v59 =	vpop (erf);
	v18 =	vmul.f32 $1.442695020e+00, v56;
	(erf) = vpow2.f32 v10  }
0xad: {  	v15 =	vadd.f32 v51, v15;
	v60 =	vpop (erf);
	v61 =	vmul.f32 $1.442695020e+00, v58;
	(erf) = vpow2.f32 v14  }
0xae: {  	v62 =	vsub.f32 $0.0e+00, v16;
	v63 =	vpop (erf);
	(erf) = vpow2.f32 v18  }
0xaf: {  	v29 =	vsub.f32 $0.0e+00, v15;
	v30 =	vpop (erf);
	(erf) = vpow2.f32 v61  }
0xb0: {  	v14 =	vmul.f32 $1.442695020e+00, v62;
	v31 =	vpop (erf)  }
0xb1: {  	v18 =	vmul.f32 $1.442695020e+00, v29;
	v32 =	vpop (erf)  }
0xb2: {  	(erf) = vpow2.f32 v14;
	v33 =	vpop (erf)  }
0xb3: {  	v34 =	vadd.f32 $1.000000000e+00, v55;
	(erf) = vpow2.f32 v18;
	v35 =	vpop (erf)  }
0xb4: {  	v36 =	vadd.f32 $1.000000000e+00, v57;
	v37 =	vpop (erf)  }
0xb5: {  	(erf) = vrcp.f32 v34;
	v38 =	vadd.f32 $1.000000000e+00, v37;
	v39 =	vpop (erf)  }
0xb6: {  	(erf) = vrcp.f32 v36;
	v40 =	vadd.f32 $1.000000000e+00, v39;
	v41 =	vpop (erf)  }
0xb7: {  	v24 =	vadd.f32 $1.000000000e+00, v41;
	(erf) = vrcp.f32 v38;
	v42 =	vpop (erf)  }
0xb8: {  	v14 =	vadd.f32 $1.000000000e+00, v42;
	(erf) = vrcp.f32 v40;
	v43 =	vpop (erf)  }
0xb9: {  	v44 =	vmul.f32 v63, v8;
	(erf) = vrcp.f32 v24;
	v18 =	vadd.f32 $1.000000000e+00, v43  }
0xba: {  	v45 =	vmul.f32 v30, v11;
	(erf) = vrcp.f32 v14  }
0xbb: {  	[tilespmem:s25+$0x7900] =	vst v44;
	v46 =	vmul.f32 v35, v22;
	v47 =	vpop (erf);
	(erf) = vrcp.f32 v18  }
0xbc: {  	v48 =	vmul.f32 v31, v12;
	[tilespmem:s25+$0x7910] =	vst v45;
	v49 =	vpop (erf);
	v8 =	vadd.f32 $1.000000000e+00, v47  }
0xbd: {  	v9 =	vmul.f32 v32, v9;
	[tilespmem:s28+$0x7970] =	vst v46;
	v12 =	vadd.f32 $1.000000000e+00, v49  }
0xbe: {  	v50 =	vmul.f32 v33, v13;
	[tilespmem:s25+$0x7920] =	vst v48;
	v51 =	vpop (erf);
	(erf) = vrcp.f32 v8  }
0xbf: {  	v0 =	vmul.f32 v59, v0;
	[tilespmem:s25+$0x7930] =	vst v9;
	v52 =	vpop (erf);
	(erf) = vrcp.f32 v12  }
0xc0: {  	v1 =	vmul.f32 v60, v1;
	[tilespmem:s25+$0x7940] =	vst v50;
	v53 =	vpop (erf)  }
0xc1: {  	[tilespmem:s24+$0x7950] =	vst v0;
	v54 =	vpop (erf);
	v3 =	vmul.f32 v53, v3  }
0xc2: {  	[tilespmem:s24+$0x7960] =	vst v1;
	v55 =	vpop (erf);
	v0 =	vmul.f32 v54, v17  }
0xc3: {  	v56 =	vpop (erf);
	[tilespmem:s28+$0x7900] =	vst v3;
	v1 =	vmul.f32 v55, v20  }
0xc4: {  	v57 =	vpop (erf);
	[tilespmem:s28+$0x7910] =	vst v0;
	v58 =	vmul.f32 v56, v2  }
0xc5: {  	[tilespmem:s28+$0x7920] =	vst v1;
	v59 =	vmul.f32 v57, v4  }
0xc6: {  	v60 =	vmul.f32 v51, v7;
	[tilespmem:s28+$0x7930] =	vst v58  }
0xc7: {  	v61 =	vmul.f32 v52, v5;
	v62 =	vpop (erf);
	[tilespmem:s28+$0x7940] =	vst v59  }
0xc8: {  	v63 =	vpop (erf);
	v2 =	vmul.f32 v62, v16;
	[tilespmem:s25+$0x7950] =	vst v60  }
0xc9: {  	s22 =	sadd.s32 $0x1, s22;
	[tilespmem:s25+$0x7960] =	vst v61;
	v0 =	vmul.f32 v63, v15  }
0xca: {  	p0 =	sne.s32 s22, $0x7D;
	[tilespmem:s28+$0x7950] =	vst v2  }
.Ltmp1:
0xcb: {  	s23 =	sadd.s32 s3, s23;
	[tilespmem:s28+$0x7960] =	vst v0;
	(pc) =	sbr.rel @p0 .LBB2_2-.Ltmp1, $4  }
0xcc: {  	[hbm4b:s23+s5] =	stream.linear.scatter [tilespmem:s20], [sflag:$0x4], $0x2800, $0x38;
	[tilespmem:$0xA100] =	vst v63  }
0xcd: {  	_ =	swait.ge [sflag:s11], $0x2800  }
0xce: {  	[sflag:s11] =	ssyncset.done $0x0  }
0xcf: {  	[sflag:s11] =	ssyncadd.s32 $0xFFFFD800  }
0xd0: {  	s21 =	sadd.s32 $0x1, s21  }
0xd1: {  	p0 =	sne.s32 s21, s10  }
.Ltmp2:
0xd2: {  	_ = 	snop;
	(pc) =	sbr.rel @p0 .LBB2_1-.Ltmp2, $1  }
0xd3: {  	_ =	sdelay $0x3  }
0xd4: {  	_ =	sfence.sel $0x180000  }
0xd5: {  	[bflag:$0x0] =	sbarrier.arrive $0xFFFF  }
0xd6: {  	p0 =	sne.s32 s4, $0x0;
	_ =	strace $0x90000047  }
0xd7: {  	s0 =	sadd.s32 @!p0 $0x100000, s0;
	[bflag:$0x2] =	sbarrier.arrive $0xFFFF  }
0xd8: {  	[sflag:s0] =	ssyncadd.tile.s32 @!p0 $0x1;
	_ =	shalt  }
.Lfunc_end2:
_tile_overlayer_lowered:
.L_overlay_start_2:
0xd9: {  	(tag) =	ssettag $0x2  }
0xda: {  	s0 =	rddreg [dreg:$0x0];
	s2 =	stileid.u32  }
0xdb: {  	s1 =	rddreg [dreg:$0x1];
	p0 =	sne.s32 s2, $0x0  }
0xdc: {  	s3 =	rddreg [dreg:$0x2];
	[bflag:$0x3] =	sbarrier.arrive $0xFFFF;
	s2 =	simm.s32 @!p0 $0x1C04  }
0xdd: {  	[timem:s3], [sflag:s2] =	dma.local @!p0 [hbm:s0], s1  }
0xde: {  	s0 =	simm.s32 @!p0 $0x4  }
0xdf: {  	_ =	swait.ge @!p0 [sflag:s0], s1  }
0xe0: {  	s1 =	ssub.s32 @!p0 $0x0, s1;
	[sflag:s0] =	ssyncset.done @!p0 $0x0  }
0xe1: {  	[sflag:s0] =	ssyncadd.s32 @!p0 s1  }
0xe2: {  	[bflag:$0x3] =	sbarrier.arrive $0xFFFF  }
0xe3: {  	_ =	shalt  }

</sc_bundles>
